<compile_context>
chip_gen: v7x
topology: tpu7x:2x2x1
jax: 0.10.2.dev20260603
libtpu: 0.0.44.dev20260713+nightly
codegen_flags: <defaults>
</compile_context>

<pallas_src>
import functools

import jax
import jax.numpy as jnp
from jax import lax
from jax.experimental import pallas as pl
from jax.experimental.pallas import tpu as pltpu
from jax.experimental.pallas import tpu_sc as plsc

N_POS = 64
BOOK = 8192
DIM = 32
BATCH = 16
P = 8

ROWS = BATCH * N_POS
OH_WORDS = ROWS * BOOK
NW = 32
W_WORDS = OH_WORDS // NW
ZCHUNK = 65536

_MESH = functools.partial(
    plsc.VectorSubcoreMesh, core_axis_name="c", subcore_axis_name="s")


def _tc_body(z2_ref, zt_ref, cbt_ref, word_ref, wq_ref, idx_ref):
    g = pl.program_id(0)
    for p in range(P):
        n = g * P + p
        zb = zt_ref[n]
        cbt = cbt_ref[p]
        z2 = z2_ref[n, 0, :].reshape(BATCH, 1)
        zc = jax.lax.dot_general(zb, cbt, (((1,), (0,)), ((), ())))
        c2 = jnp.sum(cbt * cbt, axis=0).reshape(1, BOOK)
        dist = (z2 + c2) - 2.0 * zc
        m = jnp.min(dist, axis=1, keepdims=True)
        iota = jax.lax.broadcasted_iota(jnp.int32, (BATCH, BOOK), 1)
        idx = jnp.min(jnp.where(dist == m, iota, jnp.int32(BOOK)), axis=1)
        one_hot = (iota == idx[:, None]).astype(jnp.float32)
        wq = jax.lax.dot_general(one_hot, cbt, (((1,), (1,)), ((), ())))
        wq_ref[n] = wq
        word_ref[n] = zb + (wq - zb)
        idx_ref[n, 0, :] = idx


@functools.partial(
    pl.kernel,
    out_type=jax.ShapeDtypeStruct((OH_WORDS,), jnp.float32),
    mesh=_MESH(),
    scratch_types=[
        pltpu.VMEM((ZCHUNK,), jnp.float32),
        pltpu.SemaphoreType.DMA,
    ],
)
def _sc_zero(zeros_hbm, out_hbm, zbuf, sem):
    wid = lax.axis_index("s") * 2 + lax.axis_index("c")
    pltpu.sync_copy(zeros_hbm, zbuf)
    base = wid * W_WORDS
    copies = []
    for i in range(W_WORDS // ZCHUNK):
        copies.append(
            pltpu.async_copy(zbuf, out_hbm.at[pl.ds(base + i * ZCHUNK, ZCHUNK)], sem))
    for c in copies:
        c.wait()


@functools.partial(
    pl.kernel,
    mesh=_MESH(),
    scratch_types=[
        pltpu.VMEM((NW,), jnp.int32),
        pltpu.VMEM((NW,), jnp.int32),
        pltpu.VMEM((NW,), jnp.float32),
        pltpu.SemaphoreType.DMA,
    ],
)
def _sc_scatter(idx_hbm, oh_ref, idxv, flatv, onesv, sem):
    wid = lax.axis_index("s") * 2 + lax.axis_index("c")
    base = wid * NW
    pltpu.sync_copy(idx_hbm.at[pl.ds(base, NW)], idxv)
    ones = jnp.ones((16,), jnp.float32)
    for c in range(NW // 16):
        v = idxv[pl.ds(c * 16, 16)]
        row = lax.iota(jnp.int32, 16) + (base + c * 16)
        flatv[pl.ds(c * 16, 16)] = row * jnp.int32(BOOK) + v
        onesv[pl.ds(c * 16, 16)] = ones
    pltpu.async_copy(onesv, oh_ref.at[flatv], sem).wait()


def kernel(z, codebook):
    cbt = jnp.transpose(codebook, (0, 2, 1))
    zt = jnp.transpose(z, (1, 0, 2))
    z2 = jnp.sum(z * z, axis=-1)
    z2t = jnp.transpose(z2, (1, 0)).reshape(N_POS, 1, BATCH)

    oh0 = _sc_zero(jnp.zeros((ZCHUNK,), jnp.float32))

    word_t, wq_t, idx3 = pl.pallas_call(
        _tc_body,
        grid=(N_POS // P,),
        in_specs=[
            pl.BlockSpec((N_POS, 1, BATCH), lambda g: (0, 0, 0)),
            pl.BlockSpec((N_POS, BATCH, DIM), lambda g: (0, 0, 0)),
            pl.BlockSpec((P, DIM, BOOK), lambda g: (g, 0, 0)),
        ],
        out_specs=[
            pl.BlockSpec((N_POS, BATCH, DIM), lambda g: (0, 0, 0)),
            pl.BlockSpec((N_POS, BATCH, DIM), lambda g: (0, 0, 0)),
            pl.BlockSpec((N_POS, 1, BATCH), lambda g: (0, 0, 0)),
        ],
        out_shape=[
            jax.ShapeDtypeStruct((N_POS, BATCH, DIM), jnp.float32),
            jax.ShapeDtypeStruct((N_POS, BATCH, DIM), jnp.float32),
            jax.ShapeDtypeStruct((N_POS, 1, BATCH), jnp.int32),
        ],
        compiler_params=pltpu.CompilerParams(
            dimension_semantics=("arbitrary",),
        ),
    )(z2t, zt, cbt)

    idx = jnp.transpose(idx3.reshape(N_POS, BATCH), (1, 0))

    oh_ref = jax.new_ref(oh0)
    _sc_scatter(idx.reshape(ROWS), oh_ref)
    one_hot = oh_ref[...].reshape(BATCH, N_POS, BOOK)

    word = jnp.transpose(word_t, (1, 0, 2))
    wq = jnp.transpose(wq_t, (1, 0, 2))
    return (word, wq, idx, one_hot)

# --- scband reference (transcript-rebuilt; emitter-appended) ---
"""Pipeline reference for scband-base-vqvae-19731079758083 (READ-ONLY COPY).

The authoritative reference and input builder live on the scoring server;
editing this copy changes nothing except your own understanding.
"""

import jax, jax.numpy as jnp
import numpy as np

N_CODES = 64
BOOK_SIZE = 8192
EMBED_DIM = 32
BATCH = 16


def setup_inputs(seed: int = 0) -> dict:
    key = jax.random.key(seed)
    k1, k2 = jax.random.split(key)
    z = jax.random.normal(k1, (BATCH, N_CODES, EMBED_DIM), dtype=jnp.float32)
    cb = jax.random.normal(k2, (N_CODES, BOOK_SIZE, EMBED_DIM), dtype=jnp.float32)
    # torch: nn.functional.normalize(codebook, dim=1) -> normalize along book_size axis
    cb = cb / jnp.maximum(jnp.linalg.norm(cb, axis=1, keepdims=True), 1e-12)
    return {"z": z, "codebook": cb}


def reference(z, codebook):
    # VectorQuantizer.quantize: per-position nearest-neighbor lookup.
    # z: [B, n_codes, D]; codebook: [n_codes, K, D]
    z2 = jnp.sum(z * z, axis=-1)[:, :, None]                  # [B, n_codes, 1]
    c2 = jnp.sum(codebook * codebook, axis=-1)[None, :, :]    # [1, n_codes, K]
    zc = jnp.einsum('bnd,nkd->bnk', z, codebook)              # [B, n_codes, K]
    dist = z2 + c2 - 2.0 * zc                                 # squared L2 distances
    idx = jnp.argmin(dist, axis=-1)                           # [B, n_codes] int
    # gather quantized vectors: quantised[b, n] = codebook[n, idx[b, n]]
    pos = jnp.arange(N_CODES)[None, :]                        # [1, n_codes]
    word_quantised = codebook[pos, idx]                       # [B, n_codes, D]
    one_hot_idx = jax.nn.one_hot(idx, BOOK_SIZE, dtype=jnp.float32)
    # TransferGrad (straight-through estimator): forward value = quantised,
    # gradient flows to word_approx.
    word = z + jax.lax.stop_gradient(word_quantised - z)
    return (word, word_quantised, idx.astype(jnp.int32), one_hot_idx)

if __name__ == "__main__":
    import jax
    _d = setup_inputs()
    print(jax.jit(kernel)(*tuple(_d.values())))

</pallas_src>

<mosaic_0001>
#map = affine_map<(d0, d1) -> (0)>
module attributes {stable_mosaic.version = 14 : i64} {
  func.func @new_body(%arg0: i32, %arg1: i32, %arg2: memref<1024xi32, #tpu.memory_space<hbm>>, %arg3: memref<8388608xf32, #tpu.memory_space<hbm>>, %arg4: memref<8388608xf32, #tpu.memory_space<hbm>>, %arg5: memref<32xi32, #tpu.memory_space<vmem>>, %arg6: memref<32xi32, #tpu.memory_space<vmem>>, %arg7: memref<32xf32, #tpu.memory_space<vmem>>, %arg8: memref<!tpu.dma_semaphore, #tpu.memory_space<semaphore_mem>>) attributes {dimension_semantics = [#tpu.dimension_semantics<core_parallel>, #tpu.dimension_semantics<subcore_parallel>], iteration_bounds = array<i64: 2, 16>, scalar_prefetch = 0 : i64, scratch_operands = 4 : i64, tpu.core_type = #tpu.core_type<sc_vector_subcore>, window_params = [{transform_indices = #map}, {transform_indices = #map}, {transform_indices = #map}]} {
    %mul3A = arith.constant 2 : i32
    %mul3A_0 = arith.muli %arg1, %mul3A : i32
    %add3A = arith.addi %mul3A_0, %arg0 : i32
    %mul3A_1 = arith.constant 32 : i32
    %mul3A_2 = arith.muli %add3A, %mul3A_1 : i32
    "tpu.region"() ({
      %run_scoped3A = tpu.sem_alloc : memref<!tpu.dma_semaphore, #tpu.memory_space<semaphore_mem>>
      %dma_start3A_43 = tpu.memref_slice %arg2[%mul3A_2] : memref<1024xi32, #tpu.memory_space<hbm>> -> memref<32xi32, #tpu.memory_space<hbm>>
      %dma_start3A_44 = tpu.memref_slice %arg2[%mul3A_2] : memref<1024xi32, #tpu.memory_space<hbm>> -> memref<32xi32, #tpu.memory_space<hbm>>
      tpu.enqueue_dma source(%dma_start3A_44 : memref<32xi32, #tpu.memory_space<hbm>>) target(%arg5 : memref<32xi32, #tpu.memory_space<vmem>>) target_semaphore(%run_scoped3A : memref<!tpu.dma_semaphore, #tpu.memory_space<semaphore_mem>>)
      %dma_wait3A_45 = tpu.memref_slice %arg2[%mul3A_2] : memref<1024xi32, #tpu.memory_space<hbm>> -> memref<32xi32, #tpu.memory_space<hbm>>
      %dma_wait3A_46 = tpu.memref_slice %arg2[%mul3A_2] : memref<1024xi32, #tpu.memory_space<hbm>> -> memref<32xi32, #tpu.memory_space<hbm>>
      tpu.wait_dma2 semaphore(%run_scoped3A : memref<!tpu.dma_semaphore, #tpu.memory_space<semaphore_mem>>) src(%dma_wait3A_46 : memref<32xi32, #tpu.memory_space<hbm>>) dst(%arg5 : memref<32xi32, #tpu.memory_space<vmem>>)
      tpu.yield
    }) : () -> ()
    %broadcast_in_dim3A = arith.constant 1.000000e+00 : f32
    %broadcast_in_dim3A_3 = vector.broadcast %broadcast_in_dim3A : f32 to vector<16xf32>
    %get3A = arith.constant 0 : index
    %get3A_4 = tpu.vector_load %arg5[%get3A] {strides = array<i32>} : memref<32xi32, #tpu.memory_space<vmem>>, vector<16xi32>,
    %get3A_5 = vector.shape_cast %get3A_4 : vector<16xi32> to vector<16xi32>
    %iota3A = tpu.iota {dimensions = array<i32: 0>} : vector<16xi32>
    %add3A_6 = arith.constant 0 : i32
    %add3A_7 = arith.addi %mul3A_2, %add3A_6 : i32
    %add3A_8 = vector.broadcast %add3A_7 : i32 to vector<16xi32>
    %add3A_9 = arith.addi %iota3A, %add3A_8 : vector<16xi32>
    %mul3A_10 = arith.constant 8192 : i32
    %mul3A_11 = vector.broadcast %mul3A_10 : i32 to vector<16xi32>
    %mul3A_12 = arith.muli %add3A_9, %mul3A_11 : vector<16xi32>
    %add3A_13 = arith.addi %mul3A_12, %get3A_5 : vector<16xi32>
    %swap3A = arith.constant 0 : index
    %swap3A_14 = tpu.vector_load %arg6[%swap3A] {strides = array<i32>} : memref<32xi32, #tpu.memory_space<vmem>>, vector<16xi32>,
    %swap3A_15 = vector.shape_cast %swap3A_14 : vector<16xi32> to vector<16xi32>
    %swap3A_16 = vector.shape_cast %add3A_13 : vector<16xi32> to vector<16xi32>
    tpu.vector_store %arg6[%swap3A], %swap3A_16 {strides = array<i32>} : memref<32xi32, #tpu.memory_space<vmem>>, vector<16xi32>,
    %swap3A_17 = arith.constant 0 : index
    %swap3A_18 = tpu.vector_load %arg7[%swap3A_17] {strides = array<i32>} : memref<32xf32, #tpu.memory_space<vmem>>, vector<16xf32>,
    %swap3A_19 = vector.shape_cast %swap3A_18 : vector<16xf32> to vector<16xf32>
    %swap3A_20 = vector.shape_cast %broadcast_in_dim3A_3 : vector<16xf32> to vector<16xf32>
    tpu.vector_store %arg7[%swap3A_17], %swap3A_20 {strides = array<i32>} : memref<32xf32, #tpu.memory_space<vmem>>, vector<16xf32>,
    %get3A_21 = arith.constant 16 : index
    %get3A_22 = tpu.vector_load %arg5[%get3A_21] {strides = array<i32>} : memref<32xi32, #tpu.memory_space<vmem>>, vector<16xi32>,
    %get3A_23 = vector.shape_cast %get3A_22 : vector<16xi32> to vector<16xi32>
    %iota3A_24 = tpu.iota {dimensions = array<i32: 0>} : vector<16xi32>
    %add3A_25 = arith.constant 16 : i32
    %add3A_26 = arith.addi %mul3A_2, %add3A_25 : i32
    %add3A_27 = vector.broadcast %add3A_26 : i32 to vector<16xi32>
    %add3A_28 = arith.addi %iota3A_24, %add3A_27 : vector<16xi32>
    %mul3A_29 = arith.constant 8192 : i32
    %mul3A_30 = vector.broadcast %mul3A_29 : i32 to vector<16xi32>
    %mul3A_31 = arith.muli %add3A_28, %mul3A_30 : vector<16xi32>
    %add3A_32 = arith.addi %mul3A_31, %get3A_23 : vector<16xi32>
    %swap3A_33 = arith.constant 16 : index
    %swap3A_34 = tpu.vector_load %arg6[%swap3A_33] {strides = array<i32>} : memref<32xi32, #tpu.memory_space<vmem>>, vector<16xi32>,
    %swap3A_35 = vector.shape_cast %swap3A_34 : vector<16xi32> to vector<16xi32>
    %swap3A_36 = vector.shape_cast %add3A_32 : vector<16xi32> to vector<16xi32>
    tpu.vector_store %arg6[%swap3A_33], %swap3A_36 {strides = array<i32>} : memref<32xi32, #tpu.memory_space<vmem>>, vector<16xi32>,
    %swap3A_37 = arith.constant 16 : index
    %swap3A_38 = tpu.vector_load %arg7[%swap3A_37] {strides = array<i32>} : memref<32xf32, #tpu.memory_space<vmem>>, vector<16xf32>,
    %swap3A_39 = vector.shape_cast %swap3A_38 : vector<16xf32> to vector<16xf32>
    %swap3A_40 = vector.shape_cast %broadcast_in_dim3A_3 : vector<16xf32> to vector<16xf32>
    tpu.vector_store %arg7[%swap3A_37], %swap3A_40 {strides = array<i32>} : memref<32xf32, #tpu.memory_space<vmem>>, vector<16xf32>,
    %dma_start3A = arith.constant 0 : i32
    %dma_start3A_41 = tpu.memref_slice %arg3[%dma_start3A] : memref<8388608xf32, #tpu.memory_space<hbm>> -> memref<8388608xf32, #tpu.memory_space<hbm>>
    tpu.enqueue_indirect_dma source(%arg7 : memref<32xf32, #tpu.memory_space<vmem>>) target(%dma_start3A_41 : memref<8388608xf32, #tpu.memory_space<hbm>>) offsets(%arg6 : memref<32xi32, #tpu.memory_space<vmem>>) semaphore(%arg8 : memref<!tpu.dma_semaphore, #tpu.memory_space<semaphore_mem>>)
    %dma_wait3A = arith.constant 0 : i32
    %dma_wait3A_42 = tpu.memref_slice %arg3[%dma_wait3A] : memref<8388608xf32, #tpu.memory_space<hbm>> -> memref<8388608xf32, #tpu.memory_space<hbm>>
    tpu.wait_indirect_dma semaphore(%arg8 : memref<!tpu.dma_semaphore, #tpu.memory_space<semaphore_mem>>) src(%arg7 : memref<32xf32, #tpu.memory_space<vmem>>) dst(%dma_wait3A_42 : memref<8388608xf32, #tpu.memory_space<hbm>>)
    return
  }
}

#map = affine_map<(d0, d1) -> (0)>
module attributes {stable_mosaic.version = 14 : i64} {
  func.func @_sc_zero(%arg0: i32, %arg1: i32, %arg2: memref<65536xf32, #tpu.memory_space<hbm>>, %arg3: memref<8388608xf32, #tpu.memory_space<hbm>>, %arg4: memref<65536xf32, #tpu.memory_space<vmem>>, %arg5: memref<!tpu.dma_semaphore, #tpu.memory_space<semaphore_mem>>) attributes {dimension_semantics = [#tpu.dimension_semantics<core_parallel>, #tpu.dimension_semantics<subcore_parallel>], iteration_bounds = array<i64: 2, 16>, scalar_prefetch = 0 : i64, scratch_operands = 2 : i64, tpu.core_type = #tpu.core_type<sc_vector_subcore>, window_params = [{transform_indices = #map}, {transform_indices = #map}]} {
    %mul3A = arith.constant 2 : i32
    %mul3A_0 = arith.muli %arg1, %mul3A : i32
    %add3A = arith.addi %mul3A_0, %arg0 : i32
    "tpu.region"() ({
      %run_scoped3A = tpu.sem_alloc : memref<!tpu.dma_semaphore, #tpu.memory_space<semaphore_mem>>
      tpu.enqueue_dma source(%arg2 : memref<65536xf32, #tpu.memory_space<hbm>>) target(%arg4 : memref<65536xf32, #tpu.memory_space<vmem>>) target_semaphore(%run_scoped3A : memref<!tpu.dma_semaphore, #tpu.memory_space<semaphore_mem>>)
      tpu.wait_dma2 semaphore(%run_scoped3A : memref<!tpu.dma_semaphore, #tpu.memory_space<semaphore_mem>>) src(%arg2 : memref<65536xf32, #tpu.memory_space<hbm>>) dst(%arg4 : memref<65536xf32, #tpu.memory_space<vmem>>)
      tpu.yield
    }) : () -> ()
    %mul3A_1 = arith.constant 262144 : i32
    %mul3A_2 = arith.muli %add3A, %mul3A_1 : i32
    %add3A_3 = arith.constant 0 : i32
    %add3A_4 = arith.addi %mul3A_2, %add3A_3 : i32
    %dma_start3A = tpu.memref_slice %arg3[%add3A_4] : memref<8388608xf32, #tpu.memory_space<hbm>> -> memref<65536xf32, #tpu.memory_space<hbm>>
    %dma_start3A_5 = tpu.memref_slice %arg3[%add3A_4] : memref<8388608xf32, #tpu.memory_space<hbm>> -> memref<65536xf32, #tpu.memory_space<hbm>>
    tpu.enqueue_dma source(%arg4 : memref<65536xf32, #tpu.memory_space<vmem>>) target(%dma_start3A_5 : memref<65536xf32, #tpu.memory_space<hbm>>) target_semaphore(%arg5 : memref<!tpu.dma_semaphore, #tpu.memory_space<semaphore_mem>>)
    %add3A_6 = arith.constant 65536 : i32
    %add3A_7 = arith.addi %mul3A_2, %add3A_6 : i32
    %dma_start3A_8 = tpu.memref_slice %arg3[%add3A_7] : memref<8388608xf32, #tpu.memory_space<hbm>> -> memref<65536xf32, #tpu.memory_space<hbm>>
    %dma_start3A_9 = tpu.memref_slice %arg3[%add3A_7] : memref<8388608xf32, #tpu.memory_space<hbm>> -> memref<65536xf32, #tpu.memory_space<hbm>>
    tpu.enqueue_dma source(%arg4 : memref<65536xf32, #tpu.memory_space<vmem>>) target(%dma_start3A_9 : memref<65536xf32, #tpu.memory_space<hbm>>) target_semaphore(%arg5 : memref<!tpu.dma_semaphore, #tpu.memory_space<semaphore_mem>>)
    %add3A_10 = arith.constant 131072 : i32
    %add3A_11 = arith.addi %mul3A_2, %add3A_10 : i32
    %dma_start3A_12 = tpu.memref_slice %arg3[%add3A_11] : memref<8388608xf32, #tpu.memory_space<hbm>> -> memref<65536xf32, #tpu.memory_space<hbm>>
    %dma_start3A_13 = tpu.memref_slice %arg3[%add3A_11] : memref<8388608xf32, #tpu.memory_space<hbm>> -> memref<65536xf32, #tpu.memory_space<hbm>>
    tpu.enqueue_dma source(%arg4 : memref<65536xf32, #tpu.memory_space<vmem>>) target(%dma_start3A_13 : memref<65536xf32, #tpu.memory_space<hbm>>) target_semaphore(%arg5 : memref<!tpu.dma_semaphore, #tpu.memory_space<semaphore_mem>>)
    %add3A_14 = arith.constant 196608 : i32
    %add3A_15 = arith.addi %mul3A_2, %add3A_14 : i32
    %dma_start3A_16 = tpu.memref_slice %arg3[%add3A_15] : memref<8388608xf32, #tpu.memory_space<hbm>> -> memref<65536xf32, #tpu.memory_space<hbm>>
    %dma_start3A_17 = tpu.memref_slice %arg3[%add3A_15] : memref<8388608xf32, #tpu.memory_space<hbm>> -> memref<65536xf32, #tpu.memory_space<hbm>>
    tpu.enqueue_dma source(%arg4 : memref<65536xf32, #tpu.memory_space<vmem>>) target(%dma_start3A_17 : memref<65536xf32, #tpu.memory_space<hbm>>) target_semaphore(%arg5 : memref<!tpu.dma_semaphore, #tpu.memory_space<semaphore_mem>>)
    %dma_wait3A = tpu.memref_slice %arg3[%add3A_4] : memref<8388608xf32, #tpu.memory_space<hbm>> -> memref<65536xf32, #tpu.memory_space<hbm>>
    %dma_wait3A_18 = tpu.memref_slice %arg3[%add3A_4] : memref<8388608xf32, #tpu.memory_space<hbm>> -> memref<65536xf32, #tpu.memory_space<hbm>>
    tpu.wait_dma2 semaphore(%arg5 : memref<!tpu.dma_semaphore, #tpu.memory_space<semaphore_mem>>) src(%arg4 : memref<65536xf32, #tpu.memory_space<vmem>>) dst(%dma_wait3A_18 : memref<65536xf32, #tpu.memory_space<hbm>>)
    %dma_wait3A_19 = tpu.memref_slice %arg3[%add3A_7] : memref<8388608xf32, #tpu.memory_space<hbm>> -> memref<65536xf32, #tpu.memory_space<hbm>>
    %dma_wait3A_20 = tpu.memref_slice %arg3[%add3A_7] : memref<8388608xf32, #tpu.memory_space<hbm>> -> memref<65536xf32, #tpu.memory_space<hbm>>
    tpu.wait_dma2 semaphore(%arg5 : memref<!tpu.dma_semaphore, #tpu.memory_space<semaphore_mem>>) src(%arg4 : memref<65536xf32, #tpu.memory_space<vmem>>) dst(%dma_wait3A_20 : memref<65536xf32, #tpu.memory_space<hbm>>)
    %dma_wait3A_21 = tpu.memref_slice %arg3[%add3A_11] : memref<8388608xf32, #tpu.memory_space<hbm>> -> memref<65536xf32, #tpu.memory_space<hbm>>
    %dma_wait3A_22 = tpu.memref_slice %arg3[%add3A_11] : memref<8388608xf32, #tpu.memory_space<hbm>> -> memref<65536xf32, #tpu.memory_space<hbm>>
    tpu.wait_dma2 semaphore(%arg5 : memref<!tpu.dma_semaphore, #tpu.memory_space<semaphore_mem>>) src(%arg4 : memref<65536xf32, #tpu.memory_space<vmem>>) dst(%dma_wait3A_22 : memref<65536xf32, #tpu.memory_space<hbm>>)
    %dma_wait3A_23 = tpu.memref_slice %arg3[%add3A_15] : memref<8388608xf32, #tpu.memory_space<hbm>> -> memref<65536xf32, #tpu.memory_space<hbm>>
    %dma_wait3A_24 = tpu.memref_slice %arg3[%add3A_15] : memref<8388608xf32, #tpu.memory_space<hbm>> -> memref<65536xf32, #tpu.memory_space<hbm>>
    tpu.wait_dma2 semaphore(%arg5 : memref<!tpu.dma_semaphore, #tpu.memory_space<semaphore_mem>>) src(%arg4 : memref<65536xf32, #tpu.memory_space<vmem>>) dst(%dma_wait3A_24 : memref<65536xf32, #tpu.memory_space<hbm>>)
    return
  }
}

module attributes {stable_mosaic.version = 14 : i64} {
  func.func @_tc_body(%arg0: i32, %arg1: memref<64x1x16xf32, #tpu.memory_space<vmem>>, %arg2: memref<64x16x32xf32, #tpu.memory_space<vmem>>, %arg3: memref<8x32x8192xf32, #tpu.memory_space<vmem>>, %arg4: memref<64x16x32xf32, #tpu.memory_space<vmem>>, %arg5: memref<64x16x32xf32, #tpu.memory_space<vmem>>, %arg6: memref<64x1x16xi32, #tpu.memory_space<vmem>>) attributes {dimension_semantics = [#tpu.dimension_semantics<arbitrary>], iteration_bounds = array<i64: 8>, scalar_prefetch = 0 : i64, scratch_operands = 0 : i64, tpu.core_type = #tpu.core_type<tc>, window_params = [{pipeline_mode = #tpu.pipeline_mode<synchronous>, transform_indices = @transform_0, window_bounds = array<i64: 64, 1, 16>}, {pipeline_mode = #tpu.pipeline_mode<synchronous>, transform_indices = @transform_1, window_bounds = array<i64: 64, 16, 32>}, {transform_indices = @transform_2, window_bounds = array<i64: 8, 32, 8192>}, {pipeline_mode = #tpu.pipeline_mode<synchronous>, transform_indices = @transform_3, window_bounds = array<i64: 64, 16, 32>}, {pipeline_mode = #tpu.pipeline_mode<synchronous>, transform_indices = @transform_4, window_bounds = array<i64: 64, 16, 32>}, {pipeline_mode = #tpu.pipeline_mode<synchronous>, transform_indices = @transform_5, window_bounds = array<i64: 64, 1, 16>}]} {
    %mul3A = arith.constant 8 : i32
    %mul3A_0 = arith.muli %arg0, %mul3A : i32
    %add3A = arith.constant 0 : i32
    %add3A_1 = arith.addi %mul3A_0, %add3A : i32
    %get3A = arith.index_cast %add3A_1 : i32 to index
    %get3A_2 = arith.constant 0 : index
    %get3A_3 = arith.constant 0 : index
    %get3A_4 = vector.load %arg2[%get3A, %get3A_2, %get3A_3] : memref<64x16x32xf32, #tpu.memory_space<vmem>>, vector<1x16x32xf32>
    %get3A_5 = vector.shape_cast %get3A_4 : vector<1x16x32xf32> to vector<16x32xf32>
    %get3A_6 = arith.constant 0 : index
    %get3A_7 = arith.constant 0 : index
    %get3A_8 = arith.constant 0 : index
    %get3A_9 = vector.load %arg3[%get3A_6, %get3A_7, %get3A_8] : memref<8x32x8192xf32, #tpu.memory_space<vmem>>, vector<1x32x8192xf32>
    %get3A_10 = vector.shape_cast %get3A_9 : vector<1x32x8192xf32> to vector<32x8192xf32>
    %get3A_11 = arith.index_cast %add3A_1 : i32 to index
    %get3A_12 = arith.constant 0 : index
    %get3A_13 = arith.constant 0 : index
    %get3A_14 = vector.load %arg1[%get3A_11, %get3A_12, %get3A_13] : memref<64x1x16xf32, #tpu.memory_space<vmem>>, vector<1x1x16xf32>
    %get3A_15 = vector.shape_cast %get3A_14 : vector<1x1x16xf32> to vector<16xf32>
    %reshape3A = vector.shape_cast %get3A_15 : vector<16xf32> to vector<16x1xf32>
    %dot_general3A = arith.constant dense<0.000000e+00> : vector<16x8192xf32>
    %dot_general3A_16 = tpu.matmul %get3A_5, %get3A_10, %dot_general3A {dimension_numbers = #tpu.dot_dimension_numbers<[1], [0], [0], [1], [0, 0, 1, 1], [], []>, transpose_lhs_hint = false} : vector<16x32xf32>, vector<32x8192xf32>, vector<16x8192xf32> -> vector<16x8192xf32>
    %mul3A_17 = arith.mulf %get3A_10, %get3A_10 : vector<32x8192xf32>
    %reduce_sum3A = arith.constant dense<0.000000e+00> : vector<8192xf32>
    %reduce_sum3A_18 = vector.multi_reduction <add>, %mul3A_17, %reduce_sum3A [0] : vector<32x8192xf32> to vector<8192xf32>
    %reshape3A_19 = vector.shape_cast %reduce_sum3A_18 : vector<8192xf32> to vector<1x8192xf32>
    %add3A_20 = vector.broadcast %reshape3A : vector<16x1xf32> to vector<16x8192xf32>
    %add3A_21 = vector.broadcast %reshape3A_19 : vector<1x8192xf32> to vector<16x8192xf32>
    %add3A_22 = arith.addf %add3A_20, %add3A_21 : vector<16x8192xf32>
    %mul3A_23 = arith.constant 2.000000e+00 : f32
    %mul3A_24 = vector.broadcast %mul3A_23 : f32 to vector<16x8192xf32>
    %mul3A_25 = arith.mulf %mul3A_24, %dot_general3A_16 : vector<16x8192xf32>
    %sub3A = arith.subf %add3A_22, %mul3A_25 : vector<16x8192xf32>
    %reduce_min3A = arith.constant dense<0x7F800000> : vector<16xf32>
    %reduce_min3A_26 = vector.multi_reduction <minimumf>, %sub3A, %reduce_min3A [1] : vector<16x8192xf32> to vector<16xf32>
    %broadcast_in_dim3A = vector.shape_cast %reduce_min3A_26 : vector<16xf32> to vector<16x1xf32>
    %iota3A = tpu.iota {dimensions = array<i32: 1>} : vector<16x8192xi32>
    %eq3A = vector.broadcast %broadcast_in_dim3A : vector<16x1xf32> to vector<16x8192xf32>
    %eq3A_27 = arith.cmpf oeq, %sub3A, %eq3A : vector<16x8192xf32>
    %jit3A = arith.constant 8192 : i32
    %broadcast_in_dim3A_28 = vector.broadcast %jit3A : i32 to vector<16x8192xi32>
    %select_n3A = arith.select %eq3A_27, %iota3A, %broadcast_in_dim3A_28 : vector<16x8192xi1>, vector<16x8192xi32>
    %reduce_min3A_29 = arith.constant dense<2147483647> : vector<16xi32>
    %reduce_min3A_30 = vector.multi_reduction <minsi>, %select_n3A, %reduce_min3A_29 [1] : vector<16x8192xi32> to vector<16xi32>
    %broadcast_in_dim3A_31 = vector.shape_cast %reduce_min3A_30 : vector<16xi32> to vector<16x1xi32>
    %eq3A_32 = vector.broadcast %broadcast_in_dim3A_31 : vector<16x1xi32> to vector<16x8192xi32>
    %eq3A_33 = arith.cmpi eq, %iota3A, %eq3A_32 : vector<16x8192xi32>
    %convert_element_type3A = arith.extui %eq3A_33 : vector<16x8192xi1> to vector<16x8192xi32>
    %convert_element_type3A_34 = arith.sitofp %convert_element_type3A : vector<16x8192xi32> to vector<16x8192xf32>
    %dot_general3A_35 = arith.constant dense<0.000000e+00> : vector<16x32xf32>
    %dot_general3A_36 = tpu.matmul %convert_element_type3A_34, %get3A_10, %dot_general3A_35 {dimension_numbers = #tpu.dot_dimension_numbers<[1], [1], [0], [0], [0, 0, 1, 0], [], []>, transpose_lhs_hint = false} : vector<16x8192xf32>, vector<32x8192xf32>, vector<16x32xf32> -> vector<16x32xf32>
    %swap3A = arith.index_cast %add3A_1 : i32 to index
    %swap3A_37 = arith.constant 0 : index
    %swap3A_38 = arith.constant 0 : index
    %swap3A_39 = vector.load %arg5[%swap3A, %swap3A_37, %swap3A_38] : memref<64x16x32xf32, #tpu.memory_space<vmem>>, vector<1x16x32xf32>
    %swap3A_40 = vector.shape_cast %swap3A_39 : vector<1x16x32xf32> to vector<16x32xf32>
    %swap3A_41 = vector.shape_cast %dot_general3A_36 : vector<16x32xf32> to vector<1x16x32xf32>
    tpu.vector_store %arg5[%swap3A, %swap3A_37, %swap3A_38], %swap3A_41 {strides = array<i32>} : memref<64x16x32xf32, #tpu.memory_space<vmem>>, vector<1x16x32xf32>,
    %sub3A_42 = arith.subf %dot_general3A_36, %get3A_5 : vector<16x32xf32>
    %add3A_43 = arith.addf %get3A_5, %sub3A_42 : vector<16x32xf32>
    %swap3A_44 = arith.index_cast %add3A_1 : i32 to index
    %swap3A_45 = arith.constant 0 : index
    %swap3A_46 = arith.constant 0 : index
    %swap3A_47 = vector.load %arg4[%swap3A_44, %swap3A_45, %swap3A_46] : memref<64x16x32xf32, #tpu.memory_space<vmem>>, vector<1x16x32xf32>
    %swap3A_48 = vector.shape_cast %swap3A_47 : vector<1x16x32xf32> to vector<16x32xf32>
    %swap3A_49 = vector.shape_cast %add3A_43 : vector<16x32xf32> to vector<1x16x32xf32>
    tpu.vector_store %arg4[%swap3A_44, %swap3A_45, %swap3A_46], %swap3A_49 {strides = array<i32>} : memref<64x16x32xf32, #tpu.memory_space<vmem>>, vector<1x16x32xf32>,
    %swap3A_50 = arith.index_cast %add3A_1 : i32 to index
    %swap3A_51 = arith.constant 0 : index
    %swap3A_52 = arith.constant 0 : index
    %swap3A_53 = vector.load %arg6[%swap3A_50, %swap3A_51, %swap3A_52] : memref<64x1x16xi32, #tpu.memory_space<vmem>>, vector<1x1x16xi32>
    %swap3A_54 = vector.shape_cast %swap3A_53 : vector<1x1x16xi32> to vector<16xi32>
    %swap3A_55 = vector.shape_cast %reduce_min3A_30 : vector<16xi32> to vector<1x1x16xi32>
    tpu.vector_store %arg6[%swap3A_50, %swap3A_51, %swap3A_52], %swap3A_55 {strides = array<i32>} : memref<64x1x16xi32, #tpu.memory_space<vmem>>, vector<1x1x16xi32>,
    %mul3A_56 = arith.constant 8 : i32
    %mul3A_57 = arith.muli %arg0, %mul3A_56 : i32
    %add3A_58 = arith.constant 1 : i32
    %add3A_59 = arith.addi %mul3A_57, %add3A_58 : i32
    %get3A_60 = arith.index_cast %add3A_59 : i32 to index
    %get3A_61 = arith.constant 0 : index
    %get3A_62 = arith.constant 0 : index
    %get3A_63 = vector.load %arg2[%get3A_60, %get3A_61, %get3A_62] : memref<64x16x32xf32, #tpu.memory_space<vmem>>, vector<1x16x32xf32>
    %get3A_64 = vector.shape_cast %get3A_63 : vector<1x16x32xf32> to vector<16x32xf32>
    %get3A_65 = arith.constant 1 : index
    %get3A_66 = arith.constant 0 : index
    %get3A_67 = arith.constant 0 : index
    %get3A_68 = vector.load %arg3[%get3A_65, %get3A_66, %get3A_67] : memref<8x32x8192xf32, #tpu.memory_space<vmem>>, vector<1x32x8192xf32>
    %get3A_69 = vector.shape_cast %get3A_68 : vector<1x32x8192xf32> to vector<32x8192xf32>
    %get3A_70 = arith.index_cast %add3A_59 : i32 to index
    %get3A_71 = arith.constant 0 : index
    %get3A_72 = arith.constant 0 : index
    %get3A_73 = vector.load %arg1[%get3A_70, %get3A_71, %get3A_72] : memref<64x1x16xf32, #tpu.memory_space<vmem>>, vector<1x1x16xf32>
    %get3A_74 = vector.shape_cast %get3A_73 : vector<1x1x16xf32> to vector<16xf32>
    %reshape3A_75 = vector.shape_cast %get3A_74 : vector<16xf32> to vector<16x1xf32>
    %dot_general3A_76 = arith.constant dense<0.000000e+00> : vector<16x8192xf32>
    %dot_general3A_77 = tpu.matmul %get3A_64, %get3A_69, %dot_general3A_76 {dimension_numbers = #tpu.dot_dimension_numbers<[1], [0], [0], [1], [0, 0, 1, 1], [], []>, transpose_lhs_hint = false} : vector<16x32xf32>, vector<32x8192xf32>, vector<16x8192xf32> -> vector<16x8192xf32>
    %mul3A_78 = arith.mulf %get3A_69, %get3A_69 : vector<32x8192xf32>
    %reduce_sum3A_79 = arith.constant dense<0.000000e+00> : vector<8192xf32>
    %reduce_sum3A_80 = vector.multi_reduction <add>, %mul3A_78, %reduce_sum3A_79 [0] : vector<32x8192xf32> to vector<8192xf32>
    %reshape3A_81 = vector.shape_cast %reduce_sum3A_80 : vector<8192xf32> to vector<1x8192xf32>
    %add3A_82 = vector.broadcast %reshape3A_75 : vector<16x1xf32> to vector<16x8192xf32>
    %add3A_83 = vector.broadcast %reshape3A_81 : vector<1x8192xf32> to vector<16x8192xf32>
    %add3A_84 = arith.addf %add3A_82, %add3A_83 : vector<16x8192xf32>
    %mul3A_85 = arith.constant 2.000000e+00 : f32
    %mul3A_86 = vector.broadcast %mul3A_85 : f32 to vector<16x8192xf32>
    %mul3A_87 = arith.mulf %mul3A_86, %dot_general3A_77 : vector<16x8192xf32>
    %sub3A_88 = arith.subf %add3A_84, %mul3A_87 : vector<16x8192xf32>
    %reduce_min3A_89 = arith.constant dense<0x7F800000> : vector<16xf32>
    %reduce_min3A_90 = vector.multi_reduction <minimumf>, %sub3A_88, %reduce_min3A_89 [1] : vector<16x8192xf32> to vector<16xf32>
    %broadcast_in_dim3A_91 = vector.shape_cast %reduce_min3A_90 : vector<16xf32> to vector<16x1xf32>
    %iota3A_92 = tpu.iota {dimensions = array<i32: 1>} : vector<16x8192xi32>
    %eq3A_93 = vector.broadcast %broadcast_in_dim3A_91 : vector<16x1xf32> to vector<16x8192xf32>
    %eq3A_94 = arith.cmpf oeq, %sub3A_88, %eq3A_93 : vector<16x8192xf32>
    %jit3A_95 = arith.constant 8192 : i32
    %broadcast_in_dim3A_96 = vector.broadcast %jit3A_95 : i32 to vector<16x8192xi32>
    %select_n3A_97 = arith.select %eq3A_94, %iota3A_92, %broadcast_in_dim3A_96 : vector<16x8192xi1>, vector<16x8192xi32>
    %reduce_min3A_98 = arith.constant dense<2147483647> : vector<16xi32>
    %reduce_min3A_99 = vector.multi_reduction <minsi>, %select_n3A_97, %reduce_min3A_98 [1] : vector<16x8192xi32> to vector<16xi32>
    %broadcast_in_dim3A_100 = vector.shape_cast %reduce_min3A_99 : vector<16xi32> to vector<16x1xi32>
    %eq3A_101 = vector.broadcast %broadcast_in_dim3A_100 : vector<16x1xi32> to vector<16x8192xi32>
    %eq3A_102 = arith.cmpi eq, %iota3A_92, %eq3A_101 : vector<16x8192xi32>
    %convert_element_type3A_103 = arith.extui %eq3A_102 : vector<16x8192xi1> to vector<16x8192xi32>
    %convert_element_type3A_104 = arith.sitofp %convert_element_type3A_103 : vector<16x8192xi32> to vector<16x8192xf32>
    %dot_general3A_105 = arith.constant dense<0.000000e+00> : vector<16x32xf32>
    %dot_general3A_106 = tpu.matmul %convert_element_type3A_104, %get3A_69, %dot_general3A_105 {dimension_numbers = #tpu.dot_dimension_numbers<[1], [1], [0], [0], [0, 0, 1, 0], [], []>, transpose_lhs_hint = false} : vector<16x8192xf32>, vector<32x8192xf32>, vector<16x32xf32> -> vector<16x32xf32>
    %swap3A_107 = arith.index_cast %add3A_59 : i32 to index
    %swap3A_108 = arith.constant 0 : index
    %swap3A_109 = arith.constant 0 : index
    %swap3A_110 = vector.load %arg5[%swap3A_107, %swap3A_108, %swap3A_109] : memref<64x16x32xf32, #tpu.memory_space<vmem>>, vector<1x16x32xf32>
    %swap3A_111 = vector.shape_cast %swap3A_110 : vector<1x16x32xf32> to vector<16x32xf32>
    %swap3A_112 = vector.shape_cast %dot_general3A_106 : vector<16x32xf32> to vector<1x16x32xf32>
    tpu.vector_store %arg5[%swap3A_107, %swap3A_108, %swap3A_109], %swap3A_112 {strides = array<i32>} : memref<64x16x32xf32, #tpu.memory_space<vmem>>, vector<1x16x32xf32>,
    %sub3A_113 = arith.subf %dot_general3A_106, %get3A_64 : vector<16x32xf32>
    %add3A_114 = arith.addf %get3A_64, %sub3A_113 : vector<16x32xf32>
    %swap3A_115 = arith.index_cast %add3A_59 : i32 to index
    %swap3A_116 = arith.constant 0 : index
    %swap3A_117 = arith.constant 0 : index
    %swap3A_118 = vector.load %arg4[%swap3A_115, %swap3A_116, %swap3A_117] : memref<64x16x32xf32, #tpu.memory_space<vmem>>, vector<1x16x32xf32>
    %swap3A_119 = vector.shape_cast %swap3A_118 : vector<1x16x32xf32> to vector<16x32xf32>
    %swap3A_120 = vector.shape_cast %add3A_114 : vector<16x32xf32> to vector<1x16x32xf32>
    tpu.vector_store %arg4[%swap3A_115, %swap3A_116, %swap3A_117], %swap3A_120 {strides = array<i32>} : memref<64x16x32xf32, #tpu.memory_space<vmem>>, vector<1x16x32xf32>,
    %swap3A_121 = arith.index_cast %add3A_59 : i32 to index
    %swap3A_122 = arith.constant 0 : index
    %swap3A_123 = arith.constant 0 : index
    %swap3A_124 = vector.load %arg6[%swap3A_121, %swap3A_122, %swap3A_123] : memref<64x1x16xi32, #tpu.memory_space<vmem>>, vector<1x1x16xi32>
    %swap3A_125 = vector.shape_cast %swap3A_124 : vector<1x1x16xi32> to vector<16xi32>
    %swap3A_126 = vector.shape_cast %reduce_min3A_99 : vector<16xi32> to vector<1x1x16xi32>
    tpu.vector_store %arg6[%swap3A_121, %swap3A_122, %swap3A_123], %swap3A_126 {strides = array<i32>} : memref<64x1x16xi32, #tpu.memory_space<vmem>>, vector<1x1x16xi32>,
    %mul3A_127 = arith.constant 8 : i32
    %mul3A_128 = arith.muli %arg0, %mul3A_127 : i32
    %add3A_129 = arith.constant 2 : i32
    %add3A_130 = arith.addi %mul3A_128, %add3A_129 : i32
    %get3A_131 = arith.index_cast %add3A_130 : i32 to index
    %get3A_132 = arith.constant 0 : index
    %get3A_133 = arith.constant 0 : index
    %get3A_134 = vector.load %arg2[%get3A_131, %get3A_132, %get3A_133] : memref<64x16x32xf32, #tpu.memory_space<vmem>>, vector<1x16x32xf32>
    %get3A_135 = vector.shape_cast %get3A_134 : vector<1x16x32xf32> to vector<16x32xf32>
    %get3A_136 = arith.constant 2 : index
    %get3A_137 = arith.constant 0 : index
    %get3A_138 = arith.constant 0 : index
    %get3A_139 = vector.load %arg3[%get3A_136, %get3A_137, %get3A_138] : memref<8x32x8192xf32, #tpu.memory_space<vmem>>, vector<1x32x8192xf32>
    %get3A_140 = vector.shape_cast %get3A_139 : vector<1x32x8192xf32> to vector<32x8192xf32>
    %get3A_141 = arith.index_cast %add3A_130 : i32 to index
    %get3A_142 = arith.constant 0 : index
    %get3A_143 = arith.constant 0 : index
    %get3A_144 = vector.load %arg1[%get3A_141, %get3A_142, %get3A_143] : memref<64x1x16xf32, #tpu.memory_space<vmem>>, vector<1x1x16xf32>
    %get3A_145 = vector.shape_cast %get3A_144 : vector<1x1x16xf32> to vector<16xf32>
    %reshape3A_146 = vector.shape_cast %get3A_145 : vector<16xf32> to vector<16x1xf32>
    %dot_general3A_147 = arith.constant dense<0.000000e+00> : vector<16x8192xf32>
    %dot_general3A_148 = tpu.matmul %get3A_135, %get3A_140, %dot_general3A_147 {dimension_numbers = #tpu.dot_dimension_numbers<[1], [0], [0], [1], [0, 0, 1, 1], [], []>, transpose_lhs_hint = false} : vector<16x32xf32>, vector<32x8192xf32>, vector<16x8192xf32> -> vector<16x8192xf32>
    %mul3A_149 = arith.mulf %get3A_140, %get3A_140 : vector<32x8192xf32>
    %reduce_sum3A_150 = arith.constant dense<0.000000e+00> : vector<8192xf32>
    %reduce_sum3A_151 = vector.multi_reduction <add>, %mul3A_149, %reduce_sum3A_150 [0] : vector<32x8192xf32> to vector<8192xf32>
    %reshape3A_152 = vector.shape_cast %reduce_sum3A_151 : vector<8192xf32> to vector<1x8192xf32>
    %add3A_153 = vector.broadcast %reshape3A_146 : vector<16x1xf32> to vector<16x8192xf32>
    %add3A_154 = vector.broadcast %reshape3A_152 : vector<1x8192xf32> to vector<16x8192xf32>
    %add3A_155 = arith.addf %add3A_153, %add3A_154 : vector<16x8192xf32>
    %mul3A_156 = arith.constant 2.000000e+00 : f32
    %mul3A_157 = vector.broadcast %mul3A_156 : f32 to vector<16x8192xf32>
    %mul3A_158 = arith.mulf %mul3A_157, %dot_general3A_148 : vector<16x8192xf32>
    %sub3A_159 = arith.subf %add3A_155, %mul3A_158 : vector<16x8192xf32>
    %reduce_min3A_160 = arith.constant dense<0x7F800000> : vector<16xf32>
    %reduce_min3A_161 = vector.multi_reduction <minimumf>, %sub3A_159, %reduce_min3A_160 [1] : vector<16x8192xf32> to vector<16xf32>
    %broadcast_in_dim3A_162 = vector.shape_cast %reduce_min3A_161 : vector<16xf32> to vector<16x1xf32>
    %iota3A_163 = tpu.iota {dimensions = array<i32: 1>} : vector<16x8192xi32>
    %eq3A_164 = vector.broadcast %broadcast_in_dim3A_162 : vector<16x1xf32> to vector<16x8192xf32>
    %eq3A_165 = arith.cmpf oeq, %sub3A_159, %eq3A_164 : vector<16x8192xf32>
    %jit3A_166 = arith.constant 8192 : i32
    %broadcast_in_dim3A_167 = vector.broadcast %jit3A_166 : i32 to vector<16x8192xi32>
    %select_n3A_168 = arith.select %eq3A_165, %iota3A_163, %broadcast_in_dim3A_167 : vector<16x8192xi1>, vector<16x8192xi32>
    %reduce_min3A_169 = arith.constant dense<2147483647> : vector<16xi32>
    %reduce_min3A_170 = vector.multi_reduction <minsi>, %select_n3A_168, %reduce_min3A_169 [1] : vector<16x8192xi32> to vector<16xi32>
    %broadcast_in_dim3A_171 = vector.shape_cast %reduce_min3A_170 : vector<16xi32> to vector<16x1xi32>
    %eq3A_172 = vector.broadcast %broadcast_in_dim3A_171 : vector<16x1xi32> to vector<16x8192xi32>
    %eq3A_173 = arith.cmpi eq, %iota3A_163, %eq3A_172 : vector<16x8192xi32>
    %convert_element_type3A_174 = arith.extui %eq3A_173 : vector<16x8192xi1> to vector<16x8192xi32>
    %convert_element_type3A_175 = arith.sitofp %convert_element_type3A_174 : vector<16x8192xi32> to vector<16x8192xf32>
    %dot_general3A_176 = arith.constant dense<0.000000e+00> : vector<16x32xf32>
    %dot_general3A_177 = tpu.matmul %convert_element_type3A_175, %get3A_140, %dot_general3A_176 {dimension_numbers = #tpu.dot_dimension_numbers<[1], [1], [0], [0], [0, 0, 1, 0], [], []>, transpose_lhs_hint = false} : vector<16x8192xf32>, vector<32x8192xf32>, vector<16x32xf32> -> vector<16x32xf32>
    %swap3A_178 = arith.index_cast %add3A_130 : i32 to index
    %swap3A_179 = arith.constant 0 : index
    %swap3A_180 = arith.constant 0 : index
    %swap3A_181 = vector.load %arg5[%swap3A_178, %swap3A_179, %swap3A_180] : memref<64x16x32xf32, #tpu.memory_space<vmem>>, vector<1x16x32xf32>
    %swap3A_182 = vector.shape_cast %swap3A_181 : vector<1x16x32xf32> to vector<16x32xf32>
    %swap3A_183 = vector.shape_cast %dot_general3A_177 : vector<16x32xf32> to vector<1x16x32xf32>
    tpu.vector_store %arg5[%swap3A_178, %swap3A_179, %swap3A_180], %swap3A_183 {strides = array<i32>} : memref<64x16x32xf32, #tpu.memory_space<vmem>>, vector<1x16x32xf32>,
    %sub3A_184 = arith.subf %dot_general3A_177, %get3A_135 : vector<16x32xf32>
    %add3A_185 = arith.addf %get3A_135, %sub3A_184 : vector<16x32xf32>
    %swap3A_186 = arith.index_cast %add3A_130 : i32 to index
    %swap3A_187 = arith.constant 0 : index
    %swap3A_188 = arith.constant 0 : index
    %swap3A_189 = vector.load %arg4[%swap3A_186, %swap3A_187, %swap3A_188] : memref<64x16x32xf32, #tpu.memory_space<vmem>>, vector<1x16x32xf32>
    %swap3A_190 = vector.shape_cast %swap3A_189 : vector<1x16x32xf32> to vector<16x32xf32>
    %swap3A_191 = vector.shape_cast %add3A_185 : vector<16x32xf32> to vector<1x16x32xf32>
    tpu.vector_store %arg4[%swap3A_186, %swap3A_187, %swap3A_188], %swap3A_191 {strides = array<i32>} : memref<64x16x32xf32, #tpu.memory_space<vmem>>, vector<1x16x32xf32>,
    %swap3A_192 = arith.index_cast %add3A_130 : i32 to index
    %swap3A_193 = arith.constant 0 : index
    %swap3A_194 = arith.constant 0 : index
    %swap3A_195 = vector.load %arg6[%swap3A_192, %swap3A_193, %swap3A_194] : memref<64x1x16xi32, #tpu.memory_space<vmem>>, vector<1x1x16xi32>
    %swap3A_196 = vector.shape_cast %swap3A_195 : vector<1x1x16xi32> to vector<16xi32>
    %swap3A_197 = vector.shape_cast %reduce_min3A_170 : vector<16xi32> to vector<1x1x16xi32>
    tpu.vector_store %arg6[%swap3A_192, %swap3A_193, %swap3A_194], %swap3A_197 {strides = array<i32>} : memref<64x1x16xi32, #tpu.memory_space<vmem>>, vector<1x1x16xi32>,
    %mul3A_198 = arith.constant 8 : i32
    %mul3A_199 = arith.muli %arg0, %mul3A_198 : i32
    %add3A_200 = arith.constant 3 : i32
    %add3A_201 = arith.addi %mul3A_199, %add3A_200 : i32
    %get3A_202 = arith.index_cast %add3A_201 : i32 to index
    %get3A_203 = arith.constant 0 : index
    %get3A_204 = arith.constant 0 : index
    %get3A_205 = vector.load %arg2[%get3A_202, %get3A_203, %get3A_204] : memref<64x16x32xf32, #tpu.memory_space<vmem>>, vector<1x16x32xf32>
    %get3A_206 = vector.shape_cast %get3A_205 : vector<1x16x32xf32> to vector<16x32xf32>
    %get3A_207 = arith.constant 3 : index
    %get3A_208 = arith.constant 0 : index
    %get3A_209 = arith.constant 0 : index
    %get3A_210 = vector.load %arg3[%get3A_207, %get3A_208, %get3A_209] : memref<8x32x8192xf32, #tpu.memory_space<vmem>>, vector<1x32x8192xf32>
    %get3A_211 = vector.shape_cast %get3A_210 : vector<1x32x8192xf32> to vector<32x8192xf32>
    %get3A_212 = arith.index_cast %add3A_201 : i32 to index
    %get3A_213 = arith.constant 0 : index
    %get3A_214 = arith.constant 0 : index
    %get3A_215 = vector.load %arg1[%get3A_212, %get3A_213, %get3A_214] : memref<64x1x16xf32, #tpu.memory_space<vmem>>, vector<1x1x16xf32>
    %get3A_216 = vector.shape_cast %get3A_215 : vector<1x1x16xf32> to vector<16xf32>
    %reshape3A_217 = vector.shape_cast %get3A_216 : vector<16xf32> to vector<16x1xf32>
    %dot_general3A_218 = arith.constant dense<0.000000e+00> : vector<16x8192xf32>
    %dot_general3A_219 = tpu.matmul %get3A_206, %get3A_211, %dot_general3A_218 {dimension_numbers = #tpu.dot_dimension_numbers<[1], [0], [0], [1], [0, 0, 1, 1], [], []>, transpose_lhs_hint = false} : vector<16x32xf32>, vector<32x8192xf32>, vector<16x8192xf32> -> vector<16x8192xf32>
    %mul3A_220 = arith.mulf %get3A_211, %get3A_211 : vector<32x8192xf32>
    %reduce_sum3A_221 = arith.constant dense<0.000000e+00> : vector<8192xf32>
    %reduce_sum3A_222 = vector.multi_reduction <add>, %mul3A_220, %reduce_sum3A_221 [0] : vector<32x8192xf32> to vector<8192xf32>
    %reshape3A_223 = vector.shape_cast %reduce_sum3A_222 : vector<8192xf32> to vector<1x8192xf32>
    %add3A_224 = vector.broadcast %reshape3A_217 : vector<16x1xf32> to vector<16x8192xf32>
    %add3A_225 = vector.broadcast %reshape3A_223 : vector<1x8192xf32> to vector<16x8192xf32>
    %add3A_226 = arith.addf %add3A_224, %add3A_225 : vector<16x8192xf32>
    %mul3A_227 = arith.constant 2.000000e+00 : f32
    %mul3A_228 = vector.broadcast %mul3A_227 : f32 to vector<16x8192xf32>
    %mul3A_229 = arith.mulf %mul3A_228, %dot_general3A_219 : vector<16x8192xf32>
    %sub3A_230 = arith.subf %add3A_226, %mul3A_229 : vector<16x8192xf32>
    %reduce_min3A_231 = arith.constant dense<0x7F800000> : vector<16xf32>
    %reduce_min3A_232 = vector.multi_reduction <minimumf>, %sub3A_230, %reduce_min3A_231 [1] : vector<16x8192xf32> to vector<16xf32>
    %broadcast_in_dim3A_233 = vector.shape_cast %reduce_min3A_232 : vector<16xf32> to vector<16x1xf32>
    %iota3A_234 = tpu.iota {dimensions = array<i32: 1>} : vector<16x8192xi32>
    %eq3A_235 = vector.broadcast %broadcast_in_dim3A_233 : vector<16x1xf32> to vector<16x8192xf32>
    %eq3A_236 = arith.cmpf oeq, %sub3A_230, %eq3A_235 : vector<16x8192xf32>
    %jit3A_237 = arith.constant 8192 : i32
    %broadcast_in_dim3A_238 = vector.broadcast %jit3A_237 : i32 to vector<16x8192xi32>
    %select_n3A_239 = arith.select %eq3A_236, %iota3A_234, %broadcast_in_dim3A_238 : vector<16x8192xi1>, vector<16x8192xi32>
    %reduce_min3A_240 = arith.constant dense<2147483647> : vector<16xi32>
    %reduce_min3A_241 = vector.multi_reduction <minsi>, %select_n3A_239, %reduce_min3A_240 [1] : vector<16x8192xi32> to vector<16xi32>
    %broadcast_in_dim3A_242 = vector.shape_cast %reduce_min3A_241 : vector<16xi32> to vector<16x1xi32>
    %eq3A_243 = vector.broadcast %broadcast_in_dim3A_242 : vector<16x1xi32> to vector<16x8192xi32>
    %eq3A_244 = arith.cmpi eq, %iota3A_234, %eq3A_243 : vector<16x8192xi32>
    %convert_element_type3A_245 = arith.extui %eq3A_244 : vector<16x8192xi1> to vector<16x8192xi32>
    %convert_element_type3A_246 = arith.sitofp %convert_element_type3A_245 : vector<16x8192xi32> to vector<16x8192xf32>
    %dot_general3A_247 = arith.constant dense<0.000000e+00> : vector<16x32xf32>
    %dot_general3A_248 = tpu.matmul %convert_element_type3A_246, %get3A_211, %dot_general3A_247 {dimension_numbers = #tpu.dot_dimension_numbers<[1], [1], [0], [0], [0, 0, 1, 0], [], []>, transpose_lhs_hint = false} : vector<16x8192xf32>, vector<32x8192xf32>, vector<16x32xf32> -> vector<16x32xf32>
    %swap3A_249 = arith.index_cast %add3A_201 : i32 to index
    %swap3A_250 = arith.constant 0 : index
    %swap3A_251 = arith.constant 0 : index
    %swap3A_252 = vector.load %arg5[%swap3A_249, %swap3A_250, %swap3A_251] : memref<64x16x32xf32, #tpu.memory_space<vmem>>, vector<1x16x32xf32>
    %swap3A_253 = vector.shape_cast %swap3A_252 : vector<1x16x32xf32> to vector<16x32xf32>
    %swap3A_254 = vector.shape_cast %dot_general3A_248 : vector<16x32xf32> to vector<1x16x32xf32>
    tpu.vector_store %arg5[%swap3A_249, %swap3A_250, %swap3A_251], %swap3A_254 {strides = array<i32>} : memref<64x16x32xf32, #tpu.memory_space<vmem>>, vector<1x16x32xf32>,
    %sub3A_255 = arith.subf %dot_general3A_248, %get3A_206 : vector<16x32xf32>
    %add3A_256 = arith.addf %get3A_206, %sub3A_255 : vector<16x32xf32>
    %swap3A_257 = arith.index_cast %add3A_201 : i32 to index
    %swap3A_258 = arith.constant 0 : index
    %swap3A_259 = arith.constant 0 : index
    %swap3A_260 = vector.load %arg4[%swap3A_257, %swap3A_258, %swap3A_259] : memref<64x16x32xf32, #tpu.memory_space<vmem>>, vector<1x16x32xf32>
    %swap3A_261 = vector.shape_cast %swap3A_260 : vector<1x16x32xf32> to vector<16x32xf32>
    %swap3A_262 = vector.shape_cast %add3A_256 : vector<16x32xf32> to vector<1x16x32xf32>
    tpu.vector_store %arg4[%swap3A_257, %swap3A_258, %swap3A_259], %swap3A_262 {strides = array<i32>} : memref<64x16x32xf32, #tpu.memory_space<vmem>>, vector<1x16x32xf32>,
    %swap3A_263 = arith.index_cast %add3A_201 : i32 to index
    %swap3A_264 = arith.constant 0 : index
    %swap3A_265 = arith.constant 0 : index
    %swap3A_266 = vector.load %arg6[%swap3A_263, %swap3A_264, %swap3A_265] : memref<64x1x16xi32, #tpu.memory_space<vmem>>, vector<1x1x16xi32>
    %swap3A_267 = vector.shape_cast %swap3A_266 : vector<1x1x16xi32> to vector<16xi32>
    %swap3A_268 = vector.shape_cast %reduce_min3A_241 : vector<16xi32> to vector<1x1x16xi32>
    tpu.vector_store %arg6[%swap3A_263, %swap3A_264, %swap3A_265], %swap3A_268 {strides = array<i32>} : memref<64x1x16xi32, #tpu.memory_space<vmem>>, vector<1x1x16xi32>,
    %mul3A_269 = arith.constant 8 : i32
    %mul3A_270 = arith.muli %arg0, %mul3A_269 : i32
    %add3A_271 = arith.constant 4 : i32
    %add3A_272 = arith.addi %mul3A_270, %add3A_271 : i32
    %get3A_273 = arith.index_cast %add3A_272 : i32 to index
    %get3A_274 = arith.constant 0 : index
    %get3A_275 = arith.constant 0 : index
    %get3A_276 = vector.load %arg2[%get3A_273, %get3A_274, %get3A_275] : memref<64x16x32xf32, #tpu.memory_space<vmem>>, vector<1x16x32xf32>
    %get3A_277 = vector.shape_cast %get3A_276 : vector<1x16x32xf32> to vector<16x32xf32>
    %get3A_278 = arith.constant 4 : index
    %get3A_279 = arith.constant 0 : index
    %get3A_280 = arith.constant 0 : index
    %get3A_281 = vector.load %arg3[%get3A_278, %get3A_279, %get3A_280] : memref<8x32x8192xf32, #tpu.memory_space<vmem>>, vector<1x32x8192xf32>
    %get3A_282 = vector.shape_cast %get3A_281 : vector<1x32x8192xf32> to vector<32x8192xf32>
    %get3A_283 = arith.index_cast %add3A_272 : i32 to index
    %get3A_284 = arith.constant 0 : index
    %get3A_285 = arith.constant 0 : index
    %get3A_286 = vector.load %arg1[%get3A_283, %get3A_284, %get3A_285] : memref<64x1x16xf32, #tpu.memory_space<vmem>>, vector<1x1x16xf32>
    %get3A_287 = vector.shape_cast %get3A_286 : vector<1x1x16xf32> to vector<16xf32>
    %reshape3A_288 = vector.shape_cast %get3A_287 : vector<16xf32> to vector<16x1xf32>
    %dot_general3A_289 = arith.constant dense<0.000000e+00> : vector<16x8192xf32>
    %dot_general3A_290 = tpu.matmul %get3A_277, %get3A_282, %dot_general3A_289 {dimension_numbers = #tpu.dot_dimension_numbers<[1], [0], [0], [1], [0, 0, 1, 1], [], []>, transpose_lhs_hint = false} : vector<16x32xf32>, vector<32x8192xf32>, vector<16x8192xf32> -> vector<16x8192xf32>
    %mul3A_291 = arith.mulf %get3A_282, %get3A_282 : vector<32x8192xf32>
    %reduce_sum3A_292 = arith.constant dense<0.000000e+00> : vector<8192xf32>
    %reduce_sum3A_293 = vector.multi_reduction <add>, %mul3A_291, %reduce_sum3A_292 [0] : vector<32x8192xf32> to vector<8192xf32>
    %reshape3A_294 = vector.shape_cast %reduce_sum3A_293 : vector<8192xf32> to vector<1x8192xf32>
    %add3A_295 = vector.broadcast %reshape3A_288 : vector<16x1xf32> to vector<16x8192xf32>
    %add3A_296 = vector.broadcast %reshape3A_294 : vector<1x8192xf32> to vector<16x8192xf32>
    %add3A_297 = arith.addf %add3A_295, %add3A_296 : vector<16x8192xf32>
    %mul3A_298 = arith.constant 2.000000e+00 : f32
    %mul3A_299 = vector.broadcast %mul3A_298 : f32 to vector<16x8192xf32>
    %mul3A_300 = arith.mulf %mul3A_299, %dot_general3A_290 : vector<16x8192xf32>
    %sub3A_301 = arith.subf %add3A_297, %mul3A_300 : vector<16x8192xf32>
    %reduce_min3A_302 = arith.constant dense<0x7F800000> : vector<16xf32>
    %reduce_min3A_303 = vector.multi_reduction <minimumf>, %sub3A_301, %reduce_min3A_302 [1] : vector<16x8192xf32> to vector<16xf32>
    %broadcast_in_dim3A_304 = vector.shape_cast %reduce_min3A_303 : vector<16xf32> to vector<16x1xf32>
    %iota3A_305 = tpu.iota {dimensions = array<i32: 1>} : vector<16x8192xi32>
    %eq3A_306 = vector.broadcast %broadcast_in_dim3A_304 : vector<16x1xf32> to vector<16x8192xf32>
    %eq3A_307 = arith.cmpf oeq, %sub3A_301, %eq3A_306 : vector<16x8192xf32>
    %jit3A_308 = arith.constant 8192 : i32
    %broadcast_in_dim3A_309 = vector.broadcast %jit3A_308 : i32 to vector<16x8192xi32>
    %select_n3A_310 = arith.select %eq3A_307, %iota3A_305, %broadcast_in_dim3A_309 : vector<16x8192xi1>, vector<16x8192xi32>
    %reduce_min3A_311 = arith.constant dense<2147483647> : vector<16xi32>
    %reduce_min3A_312 = vector.multi_reduction <minsi>, %select_n3A_310, %reduce_min3A_311 [1] : vector<16x8192xi32> to vector<16xi32>
    %broadcast_in_dim3A_313 = vector.shape_cast %reduce_min3A_312 : vector<16xi32> to vector<16x1xi32>
    %eq3A_314 = vector.broadcast %broadcast_in_dim3A_313 : vector<16x1xi32> to vector<16x8192xi32>
    %eq3A_315 = arith.cmpi eq, %iota3A_305, %eq3A_314 : vector<16x8192xi32>
    %convert_element_type3A_316 = arith.extui %eq3A_315 : vector<16x8192xi1> to vector<16x8192xi32>
    %convert_element_type3A_317 = arith.sitofp %convert_element_type3A_316 : vector<16x8192xi32> to vector<16x8192xf32>
    %dot_general3A_318 = arith.constant dense<0.000000e+00> : vector<16x32xf32>
    %dot_general3A_319 = tpu.matmul %convert_element_type3A_317, %get3A_282, %dot_general3A_318 {dimension_numbers = #tpu.dot_dimension_numbers<[1], [1], [0], [0], [0, 0, 1, 0], [], []>, transpose_lhs_hint = false} : vector<16x8192xf32>, vector<32x8192xf32>, vector<16x32xf32> -> vector<16x32xf32>
    %swap3A_320 = arith.index_cast %add3A_272 : i32 to index
    %swap3A_321 = arith.constant 0 : index
    %swap3A_322 = arith.constant 0 : index
    %swap3A_323 = vector.load %arg5[%swap3A_320, %swap3A_321, %swap3A_322] : memref<64x16x32xf32, #tpu.memory_space<vmem>>, vector<1x16x32xf32>
    %swap3A_324 = vector.shape_cast %swap3A_323 : vector<1x16x32xf32> to vector<16x32xf32>
    %swap3A_325 = vector.shape_cast %dot_general3A_319 : vector<16x32xf32> to vector<1x16x32xf32>
    tpu.vector_store %arg5[%swap3A_320, %swap3A_321, %swap3A_322], %swap3A_325 {strides = array<i32>} : memref<64x16x32xf32, #tpu.memory_space<vmem>>, vector<1x16x32xf32>,
    %sub3A_326 = arith.subf %dot_general3A_319, %get3A_277 : vector<16x32xf32>
    %add3A_327 = arith.addf %get3A_277, %sub3A_326 : vector<16x32xf32>
    %swap3A_328 = arith.index_cast %add3A_272 : i32 to index
    %swap3A_329 = arith.constant 0 : index
    %swap3A_330 = arith.constant 0 : index
    %swap3A_331 = vector.load %arg4[%swap3A_328, %swap3A_329, %swap3A_330] : memref<64x16x32xf32, #tpu.memory_space<vmem>>, vector<1x16x32xf32>
    %swap3A_332 = vector.shape_cast %swap3A_331 : vector<1x16x32xf32> to vector<16x32xf32>
    %swap3A_333 = vector.shape_cast %add3A_327 : vector<16x32xf32> to vector<1x16x32xf32>
    tpu.vector_store %arg4[%swap3A_328, %swap3A_329, %swap3A_330], %swap3A_333 {strides = array<i32>} : memref<64x16x32xf32, #tpu.memory_space<vmem>>, vector<1x16x32xf32>,
    %swap3A_334 = arith.index_cast %add3A_272 : i32 to index
    %swap3A_335 = arith.constant 0 : index
    %swap3A_336 = arith.constant 0 : index
    %swap3A_337 = vector.load %arg6[%swap3A_334, %swap3A_335, %swap3A_336] : memref<64x1x16xi32, #tpu.memory_space<vmem>>, vector<1x1x16xi32>
    %swap3A_338 = vector.shape_cast %swap3A_337 : vector<1x1x16xi32> to vector<16xi32>
    %swap3A_339 = vector.shape_cast %reduce_min3A_312 : vector<16xi32> to vector<1x1x16xi32>
    tpu.vector_store %arg6[%swap3A_334, %swap3A_335, %swap3A_336], %swap3A_339 {strides = array<i32>} : memref<64x1x16xi32, #tpu.memory_space<vmem>>, vector<1x1x16xi32>,
    %mul3A_340 = arith.constant 8 : i32
    %mul3A_341 = arith.muli %arg0, %mul3A_340 : i32
    %add3A_342 = arith.constant 5 : i32
    %add3A_343 = arith.addi %mul3A_341, %add3A_342 : i32
    %get3A_344 = arith.index_cast %add3A_343 : i32 to index
    %get3A_345 = arith.constant 0 : index
    %get3A_346 = arith.constant 0 : index
    %get3A_347 = vector.load %arg2[%get3A_344, %get3A_345, %get3A_346] : memref<64x16x32xf32, #tpu.memory_space<vmem>>, vector<1x16x32xf32>
    %get3A_348 = vector.shape_cast %get3A_347 : vector<1x16x32xf32> to vector<16x32xf32>
    %get3A_349 = arith.constant 5 : index
    %get3A_350 = arith.constant 0 : index
    %get3A_351 = arith.constant 0 : index
    %get3A_352 = vector.load %arg3[%get3A_349, %get3A_350, %get3A_351] : memref<8x32x8192xf32, #tpu.memory_space<vmem>>, vector<1x32x8192xf32>
    %get3A_353 = vector.shape_cast %get3A_352 : vector<1x32x8192xf32> to vector<32x8192xf32>
    %get3A_354 = arith.index_cast %add3A_343 : i32 to index
    %get3A_355 = arith.constant 0 : index
    %get3A_356 = arith.constant 0 : index
    %get3A_357 = vector.load %arg1[%get3A_354, %get3A_355, %get3A_356] : memref<64x1x16xf32, #tpu.memory_space<vmem>>, vector<1x1x16xf32>
    %get3A_358 = vector.shape_cast %get3A_357 : vector<1x1x16xf32> to vector<16xf32>
    %reshape3A_359 = vector.shape_cast %get3A_358 : vector<16xf32> to vector<16x1xf32>
    %dot_general3A_360 = arith.constant dense<0.000000e+00> : vector<16x8192xf32>
    %dot_general3A_361 = tpu.matmul %get3A_348, %get3A_353, %dot_general3A_360 {dimension_numbers = #tpu.dot_dimension_numbers<[1], [0], [0], [1], [0, 0, 1, 1], [], []>, transpose_lhs_hint = false} : vector<16x32xf32>, vector<32x8192xf32>, vector<16x8192xf32> -> vector<16x8192xf32>
    %mul3A_362 = arith.mulf %get3A_353, %get3A_353 : vector<32x8192xf32>
    %reduce_sum3A_363 = arith.constant dense<0.000000e+00> : vector<8192xf32>
    %reduce_sum3A_364 = vector.multi_reduction <add>, %mul3A_362, %reduce_sum3A_363 [0] : vector<32x8192xf32> to vector<8192xf32>
    %reshape3A_365 = vector.shape_cast %reduce_sum3A_364 : vector<8192xf32> to vector<1x8192xf32>
    %add3A_366 = vector.broadcast %reshape3A_359 : vector<16x1xf32> to vector<16x8192xf32>
    %add3A_367 = vector.broadcast %reshape3A_365 : vector<1x8192xf32> to vector<16x8192xf32>
    %add3A_368 = arith.addf %add3A_366, %add3A_367 : vector<16x8192xf32>
    %mul3A_369 = arith.constant 2.000000e+00 : f32
    %mul3A_370 = vector.broadcast %mul3A_369 : f32 to vector<16x8192xf32>
    %mul3A_371 = arith.mulf %mul3A_370, %dot_general3A_361 : vector<16x8192xf32>
    %sub3A_372 = arith.subf %add3A_368, %mul3A_371 : vector<16x8192xf32>
    %reduce_min3A_373 = arith.constant dense<0x7F800000> : vector<16xf32>
    %reduce_min3A_374 = vector.multi_reduction <minimumf>, %sub3A_372, %reduce_min3A_373 [1] : vector<16x8192xf32> to vector<16xf32>
    %broadcast_in_dim3A_375 = vector.shape_cast %reduce_min3A_374 : vector<16xf32> to vector<16x1xf32>
    %iota3A_376 = tpu.iota {dimensions = array<i32: 1>} : vector<16x8192xi32>
    %eq3A_377 = vector.broadcast %broadcast_in_dim3A_375 : vector<16x1xf32> to vector<16x8192xf32>
    %eq3A_378 = arith.cmpf oeq, %sub3A_372, %eq3A_377 : vector<16x8192xf32>
    %jit3A_379 = arith.constant 8192 : i32
    %broadcast_in_dim3A_380 = vector.broadcast %jit3A_379 : i32 to vector<16x8192xi32>
    %select_n3A_381 = arith.select %eq3A_378, %iota3A_376, %broadcast_in_dim3A_380 : vector<16x8192xi1>, vector<16x8192xi32>
    %reduce_min3A_382 = arith.constant dense<2147483647> : vector<16xi32>
    %reduce_min3A_383 = vector.multi_reduction <minsi>, %select_n3A_381, %reduce_min3A_382 [1] : vector<16x8192xi32> to vector<16xi32>
    %broadcast_in_dim3A_384 = vector.shape_cast %reduce_min3A_383 : vector<16xi32> to vector<16x1xi32>
    %eq3A_385 = vector.broadcast %broadcast_in_dim3A_384 : vector<16x1xi32> to vector<16x8192xi32>
    %eq3A_386 = arith.cmpi eq, %iota3A_376, %eq3A_385 : vector<16x8192xi32>
    %convert_element_type3A_387 = arith.extui %eq3A_386 : vector<16x8192xi1> to vector<16x8192xi32>
    %convert_element_type3A_388 = arith.sitofp %convert_element_type3A_387 : vector<16x8192xi32> to vector<16x8192xf32>
    %dot_general3A_389 = arith.constant dense<0.000000e+00> : vector<16x32xf32>
    %dot_general3A_390 = tpu.matmul %convert_element_type3A_388, %get3A_353, %dot_general3A_389 {dimension_numbers = #tpu.dot_dimension_numbers<[1], [1], [0], [0], [0, 0, 1, 0], [], []>, transpose_lhs_hint = false} : vector<16x8192xf32>, vector<32x8192xf32>, vector<16x32xf32> -> vector<16x32xf32>
    %swap3A_391 = arith.index_cast %add3A_343 : i32 to index
    %swap3A_392 = arith.constant 0 : index
    %swap3A_393 = arith.constant 0 : index
    %swap3A_394 = vector.load %arg5[%swap3A_391, %swap3A_392, %swap3A_393] : memref<64x16x32xf32, #tpu.memory_space<vmem>>, vector<1x16x32xf32>
    %swap3A_395 = vector.shape_cast %swap3A_394 : vector<1x16x32xf32> to vector<16x32xf32>
    %swap3A_396 = vector.shape_cast %dot_general3A_390 : vector<16x32xf32> to vector<1x16x32xf32>
    tpu.vector_store %arg5[%swap3A_391, %swap3A_392, %swap3A_393], %swap3A_396 {strides = array<i32>} : memref<64x16x32xf32, #tpu.memory_space<vmem>>, vector<1x16x32xf32>,
    %sub3A_397 = arith.subf %dot_general3A_390, %get3A_348 : vector<16x32xf32>
    %add3A_398 = arith.addf %get3A_348, %sub3A_397 : vector<16x32xf32>
    %swap3A_399 = arith.index_cast %add3A_343 : i32 to index
    %swap3A_400 = arith.constant 0 : index
    %swap3A_401 = arith.constant 0 : index
    %swap3A_402 = vector.load %arg4[%swap3A_399, %swap3A_400, %swap3A_401] : memref<64x16x32xf32, #tpu.memory_space<vmem>>, vector<1x16x32xf32>
    %swap3A_403 = vector.shape_cast %swap3A_402 : vector<1x16x32xf32> to vector<16x32xf32>
    %swap3A_404 = vector.shape_cast %add3A_398 : vector<16x32xf32> to vector<1x16x32xf32>
    tpu.vector_store %arg4[%swap3A_399, %swap3A_400, %swap3A_401], %swap3A_404 {strides = array<i32>} : memref<64x16x32xf32, #tpu.memory_space<vmem>>, vector<1x16x32xf32>,
    %swap3A_405 = arith.index_cast %add3A_343 : i32 to index
    %swap3A_406 = arith.constant 0 : index
    %swap3A_407 = arith.constant 0 : index
    %swap3A_408 = vector.load %arg6[%swap3A_405, %swap3A_406, %swap3A_407] : memref<64x1x16xi32, #tpu.memory_space<vmem>>, vector<1x1x16xi32>
    %swap3A_409 = vector.shape_cast %swap3A_408 : vector<1x1x16xi32> to vector<16xi32>
    %swap3A_410 = vector.shape_cast %reduce_min3A_383 : vector<16xi32> to vector<1x1x16xi32>
    tpu.vector_store %arg6[%swap3A_405, %swap3A_406, %swap3A_407], %swap3A_410 {strides = array<i32>} : memref<64x1x16xi32, #tpu.memory_space<vmem>>, vector<1x1x16xi32>,
    %mul3A_411 = arith.constant 8 : i32
    %mul3A_412 = arith.muli %arg0, %mul3A_411 : i32
    %add3A_413 = arith.constant 6 : i32
    %add3A_414 = arith.addi %mul3A_412, %add3A_413 : i32
    %get3A_415 = arith.index_cast %add3A_414 : i32 to index
    %get3A_416 = arith.constant 0 : index
    %get3A_417 = arith.constant 0 : index
    %get3A_418 = vector.load %arg2[%get3A_415, %get3A_416, %get3A_417] : memref<64x16x32xf32, #tpu.memory_space<vmem>>, vector<1x16x32xf32>
    %get3A_419 = vector.shape_cast %get3A_418 : vector<1x16x32xf32> to vector<16x32xf32>
    %get3A_420 = arith.constant 6 : index
    %get3A_421 = arith.constant 0 : index
    %get3A_422 = arith.constant 0 : index
    %get3A_423 = vector.load %arg3[%get3A_420, %get3A_421, %get3A_422] : memref<8x32x8192xf32, #tpu.memory_space<vmem>>, vector<1x32x8192xf32>
    %get3A_424 = vector.shape_cast %get3A_423 : vector<1x32x8192xf32> to vector<32x8192xf32>
    %get3A_425 = arith.index_cast %add3A_414 : i32 to index
    %get3A_426 = arith.constant 0 : index
    %get3A_427 = arith.constant 0 : index
    %get3A_428 = vector.load %arg1[%get3A_425, %get3A_426, %get3A_427] : memref<64x1x16xf32, #tpu.memory_space<vmem>>, vector<1x1x16xf32>
    %get3A_429 = vector.shape_cast %get3A_428 : vector<1x1x16xf32> to vector<16xf32>
    %reshape3A_430 = vector.shape_cast %get3A_429 : vector<16xf32> to vector<16x1xf32>
    %dot_general3A_431 = arith.constant dense<0.000000e+00> : vector<16x8192xf32>
    %dot_general3A_432 = tpu.matmul %get3A_419, %get3A_424, %dot_general3A_431 {dimension_numbers = #tpu.dot_dimension_numbers<[1], [0], [0], [1], [0, 0, 1, 1], [], []>, transpose_lhs_hint = false} : vector<16x32xf32>, vector<32x8192xf32>, vector<16x8192xf32> -> vector<16x8192xf32>
    %mul3A_433 = arith.mulf %get3A_424, %get3A_424 : vector<32x8192xf32>
    %reduce_sum3A_434 = arith.constant dense<0.000000e+00> : vector<8192xf32>
    %reduce_sum3A_435 = vector.multi_reduction <add>, %mul3A_433, %reduce_sum3A_434 [0] : vector<32x8192xf32> to vector<8192xf32>
    %reshape3A_436 = vector.shape_cast %reduce_sum3A_435 : vector<8192xf32> to vector<1x8192xf32>
    %add3A_437 = vector.broadcast %reshape3A_430 : vector<16x1xf32> to vector<16x8192xf32>
    %add3A_438 = vector.broadcast %reshape3A_436 : vector<1x8192xf32> to vector<16x8192xf32>
    %add3A_439 = arith.addf %add3A_437, %add3A_438 : vector<16x8192xf32>
    %mul3A_440 = arith.constant 2.000000e+00 : f32
    %mul3A_441 = vector.broadcast %mul3A_440 : f32 to vector<16x8192xf32>
    %mul3A_442 = arith.mulf %mul3A_441, %dot_general3A_432 : vector<16x8192xf32>
    %sub3A_443 = arith.subf %add3A_439, %mul3A_442 : vector<16x8192xf32>
    %reduce_min3A_444 = arith.constant dense<0x7F800000> : vector<16xf32>
    %reduce_min3A_445 = vector.multi_reduction <minimumf>, %sub3A_443, %reduce_min3A_444 [1] : vector<16x8192xf32> to vector<16xf32>
    %broadcast_in_dim3A_446 = vector.shape_cast %reduce_min3A_445 : vector<16xf32> to vector<16x1xf32>
    %iota3A_447 = tpu.iota {dimensions = array<i32: 1>} : vector<16x8192xi32>
    %eq3A_448 = vector.broadcast %broadcast_in_dim3A_446 : vector<16x1xf32> to vector<16x8192xf32>
    %eq3A_449 = arith.cmpf oeq, %sub3A_443, %eq3A_448 : vector<16x8192xf32>
    %jit3A_450 = arith.constant 8192 : i32
    %broadcast_in_dim3A_451 = vector.broadcast %jit3A_450 : i32 to vector<16x8192xi32>
    %select_n3A_452 = arith.select %eq3A_449, %iota3A_447, %broadcast_in_dim3A_451 : vector<16x8192xi1>, vector<16x8192xi32>
    %reduce_min3A_453 = arith.constant dense<2147483647> : vector<16xi32>
    %reduce_min3A_454 = vector.multi_reduction <minsi>, %select_n3A_452, %reduce_min3A_453 [1] : vector<16x8192xi32> to vector<16xi32>
    %broadcast_in_dim3A_455 = vector.shape_cast %reduce_min3A_454 : vector<16xi32> to vector<16x1xi32>
    %eq3A_456 = vector.broadcast %broadcast_in_dim3A_455 : vector<16x1xi32> to vector<16x8192xi32>
    %eq3A_457 = arith.cmpi eq, %iota3A_447, %eq3A_456 : vector<16x8192xi32>
    %convert_element_type3A_458 = arith.extui %eq3A_457 : vector<16x8192xi1> to vector<16x8192xi32>
    %convert_element_type3A_459 = arith.sitofp %convert_element_type3A_458 : vector<16x8192xi32> to vector<16x8192xf32>
    %dot_general3A_460 = arith.constant dense<0.000000e+00> : vector<16x32xf32>
    %dot_general3A_461 = tpu.matmul %convert_element_type3A_459, %get3A_424, %dot_general3A_460 {dimension_numbers = #tpu.dot_dimension_numbers<[1], [1], [0], [0], [0, 0, 1, 0], [], []>, transpose_lhs_hint = false} : vector<16x8192xf32>, vector<32x8192xf32>, vector<16x32xf32> -> vector<16x32xf32>
    %swap3A_462 = arith.index_cast %add3A_414 : i32 to index
    %swap3A_463 = arith.constant 0 : index
    %swap3A_464 = arith.constant 0 : index
    %swap3A_465 = vector.load %arg5[%swap3A_462, %swap3A_463, %swap3A_464] : memref<64x16x32xf32, #tpu.memory_space<vmem>>, vector<1x16x32xf32>
    %swap3A_466 = vector.shape_cast %swap3A_465 : vector<1x16x32xf32> to vector<16x32xf32>
    %swap3A_467 = vector.shape_cast %dot_general3A_461 : vector<16x32xf32> to vector<1x16x32xf32>
    tpu.vector_store %arg5[%swap3A_462, %swap3A_463, %swap3A_464], %swap3A_467 {strides = array<i32>} : memref<64x16x32xf32, #tpu.memory_space<vmem>>, vector<1x16x32xf32>,
    %sub3A_468 = arith.subf %dot_general3A_461, %get3A_419 : vector<16x32xf32>
    %add3A_469 = arith.addf %get3A_419, %sub3A_468 : vector<16x32xf32>
    %swap3A_470 = arith.index_cast %add3A_414 : i32 to index
    %swap3A_471 = arith.constant 0 : index
    %swap3A_472 = arith.constant 0 : index
    %swap3A_473 = vector.load %arg4[%swap3A_470, %swap3A_471, %swap3A_472] : memref<64x16x32xf32, #tpu.memory_space<vmem>>, vector<1x16x32xf32>
    %swap3A_474 = vector.shape_cast %swap3A_473 : vector<1x16x32xf32> to vector<16x32xf32>
    %swap3A_475 = vector.shape_cast %add3A_469 : vector<16x32xf32> to vector<1x16x32xf32>
    tpu.vector_store %arg4[%swap3A_470, %swap3A_471, %swap3A_472], %swap3A_475 {strides = array<i32>} : memref<64x16x32xf32, #tpu.memory_space<vmem>>, vector<1x16x32xf32>,
    %swap3A_476 = arith.index_cast %add3A_414 : i32 to index
    %swap3A_477 = arith.constant 0 : index
    %swap3A_478 = arith.constant 0 : index
    %swap3A_479 = vector.load %arg6[%swap3A_476, %swap3A_477, %swap3A_478] : memref<64x1x16xi32, #tpu.memory_space<vmem>>, vector<1x1x16xi32>
    %swap3A_480 = vector.shape_cast %swap3A_479 : vector<1x1x16xi32> to vector<16xi32>
    %swap3A_481 = vector.shape_cast %reduce_min3A_454 : vector<16xi32> to vector<1x1x16xi32>
    tpu.vector_store %arg6[%swap3A_476, %swap3A_477, %swap3A_478], %swap3A_481 {strides = array<i32>} : memref<64x1x16xi32, #tpu.memory_space<vmem>>, vector<1x1x16xi32>,
    %mul3A_482 = arith.constant 8 : i32
    %mul3A_483 = arith.muli %arg0, %mul3A_482 : i32
    %add3A_484 = arith.constant 7 : i32
    %add3A_485 = arith.addi %mul3A_483, %add3A_484 : i32
    %get3A_486 = arith.index_cast %add3A_485 : i32 to index
    %get3A_487 = arith.constant 0 : index
    %get3A_488 = arith.constant 0 : index
    %get3A_489 = vector.load %arg2[%get3A_486, %get3A_487, %get3A_488] : memref<64x16x32xf32, #tpu.memory_space<vmem>>, vector<1x16x32xf32>
    %get3A_490 = vector.shape_cast %get3A_489 : vector<1x16x32xf32> to vector<16x32xf32>
    %get3A_491 = arith.constant 7 : index
    %get3A_492 = arith.constant 0 : index
    %get3A_493 = arith.constant 0 : index
    %get3A_494 = vector.load %arg3[%get3A_491, %get3A_492, %get3A_493] : memref<8x32x8192xf32, #tpu.memory_space<vmem>>, vector<1x32x8192xf32>
    %get3A_495 = vector.shape_cast %get3A_494 : vector<1x32x8192xf32> to vector<32x8192xf32>
    %get3A_496 = arith.index_cast %add3A_485 : i32 to index
    %get3A_497 = arith.constant 0 : index
    %get3A_498 = arith.constant 0 : index
    %get3A_499 = vector.load %arg1[%get3A_496, %get3A_497, %get3A_498] : memref<64x1x16xf32, #tpu.memory_space<vmem>>, vector<1x1x16xf32>
    %get3A_500 = vector.shape_cast %get3A_499 : vector<1x1x16xf32> to vector<16xf32>
    %reshape3A_501 = vector.shape_cast %get3A_500 : vector<16xf32> to vector<16x1xf32>
    %dot_general3A_502 = arith.constant dense<0.000000e+00> : vector<16x8192xf32>
    %dot_general3A_503 = tpu.matmul %get3A_490, %get3A_495, %dot_general3A_502 {dimension_numbers = #tpu.dot_dimension_numbers<[1], [0], [0], [1], [0, 0, 1, 1], [], []>, transpose_lhs_hint = false} : vector<16x32xf32>, vector<32x8192xf32>, vector<16x8192xf32> -> vector<16x8192xf32>
    %mul3A_504 = arith.mulf %get3A_495, %get3A_495 : vector<32x8192xf32>
    %reduce_sum3A_505 = arith.constant dense<0.000000e+00> : vector<8192xf32>
    %reduce_sum3A_506 = vector.multi_reduction <add>, %mul3A_504, %reduce_sum3A_505 [0] : vector<32x8192xf32> to vector<8192xf32>
    %reshape3A_507 = vector.shape_cast %reduce_sum3A_506 : vector<8192xf32> to vector<1x8192xf32>
    %add3A_508 = vector.broadcast %reshape3A_501 : vector<16x1xf32> to vector<16x8192xf32>
    %add3A_509 = vector.broadcast %reshape3A_507 : vector<1x8192xf32> to vector<16x8192xf32>
    %add3A_510 = arith.addf %add3A_508, %add3A_509 : vector<16x8192xf32>
    %mul3A_511 = arith.constant 2.000000e+00 : f32
    %mul3A_512 = vector.broadcast %mul3A_511 : f32 to vector<16x8192xf32>
    %mul3A_513 = arith.mulf %mul3A_512, %dot_general3A_503 : vector<16x8192xf32>
    %sub3A_514 = arith.subf %add3A_510, %mul3A_513 : vector<16x8192xf32>
    %reduce_min3A_515 = arith.constant dense<0x7F800000> : vector<16xf32>
    %reduce_min3A_516 = vector.multi_reduction <minimumf>, %sub3A_514, %reduce_min3A_515 [1] : vector<16x8192xf32> to vector<16xf32>
    %broadcast_in_dim3A_517 = vector.shape_cast %reduce_min3A_516 : vector<16xf32> to vector<16x1xf32>
    %iota3A_518 = tpu.iota {dimensions = array<i32: 1>} : vector<16x8192xi32>
    %eq3A_519 = vector.broadcast %broadcast_in_dim3A_517 : vector<16x1xf32> to vector<16x8192xf32>
    %eq3A_520 = arith.cmpf oeq, %sub3A_514, %eq3A_519 : vector<16x8192xf32>
    %jit3A_521 = arith.constant 8192 : i32
    %broadcast_in_dim3A_522 = vector.broadcast %jit3A_521 : i32 to vector<16x8192xi32>
    %select_n3A_523 = arith.select %eq3A_520, %iota3A_518, %broadcast_in_dim3A_522 : vector<16x8192xi1>, vector<16x8192xi32>
    %reduce_min3A_524 = arith.constant dense<2147483647> : vector<16xi32>
    %reduce_min3A_525 = vector.multi_reduction <minsi>, %select_n3A_523, %reduce_min3A_524 [1] : vector<16x8192xi32> to vector<16xi32>
    %broadcast_in_dim3A_526 = vector.shape_cast %reduce_min3A_525 : vector<16xi32> to vector<16x1xi32>
    %eq3A_527 = vector.broadcast %broadcast_in_dim3A_526 : vector<16x1xi32> to vector<16x8192xi32>
    %eq3A_528 = arith.cmpi eq, %iota3A_518, %eq3A_527 : vector<16x8192xi32>
    %convert_element_type3A_529 = arith.extui %eq3A_528 : vector<16x8192xi1> to vector<16x8192xi32>
    %convert_element_type3A_530 = arith.sitofp %convert_element_type3A_529 : vector<16x8192xi32> to vector<16x8192xf32>
    %dot_general3A_531 = arith.constant dense<0.000000e+00> : vector<16x32xf32>
    %dot_general3A_532 = tpu.matmul %convert_element_type3A_530, %get3A_495, %dot_general3A_531 {dimension_numbers = #tpu.dot_dimension_numbers<[1], [1], [0], [0], [0, 0, 1, 0], [], []>, transpose_lhs_hint = false} : vector<16x8192xf32>, vector<32x8192xf32>, vector<16x32xf32> -> vector<16x32xf32>
    %swap3A_533 = arith.index_cast %add3A_485 : i32 to index
    %swap3A_534 = arith.constant 0 : index
    %swap3A_535 = arith.constant 0 : index
    %swap3A_536 = vector.load %arg5[%swap3A_533, %swap3A_534, %swap3A_535] : memref<64x16x32xf32, #tpu.memory_space<vmem>>, vector<1x16x32xf32>
    %swap3A_537 = vector.shape_cast %swap3A_536 : vector<1x16x32xf32> to vector<16x32xf32>
    %swap3A_538 = vector.shape_cast %dot_general3A_532 : vector<16x32xf32> to vector<1x16x32xf32>
    tpu.vector_store %arg5[%swap3A_533, %swap3A_534, %swap3A_535], %swap3A_538 {strides = array<i32>} : memref<64x16x32xf32, #tpu.memory_space<vmem>>, vector<1x16x32xf32>,
    %sub3A_539 = arith.subf %dot_general3A_532, %get3A_490 : vector<16x32xf32>
    %add3A_540 = arith.addf %get3A_490, %sub3A_539 : vector<16x32xf32>
    %swap3A_541 = arith.index_cast %add3A_485 : i32 to index
    %swap3A_542 = arith.constant 0 : index
    %swap3A_543 = arith.constant 0 : index
    %swap3A_544 = vector.load %arg4[%swap3A_541, %swap3A_542, %swap3A_543] : memref<64x16x32xf32, #tpu.memory_space<vmem>>, vector<1x16x32xf32>
    %swap3A_545 = vector.shape_cast %swap3A_544 : vector<1x16x32xf32> to vector<16x32xf32>
    %swap3A_546 = vector.shape_cast %add3A_540 : vector<16x32xf32> to vector<1x16x32xf32>
    tpu.vector_store %arg4[%swap3A_541, %swap3A_542, %swap3A_543], %swap3A_546 {strides = array<i32>} : memref<64x16x32xf32, #tpu.memory_space<vmem>>, vector<1x16x32xf32>,
    %swap3A_547 = arith.index_cast %add3A_485 : i32 to index
    %swap3A_548 = arith.constant 0 : index
    %swap3A_549 = arith.constant 0 : index
    %swap3A_550 = vector.load %arg6[%swap3A_547, %swap3A_548, %swap3A_549] : memref<64x1x16xi32, #tpu.memory_space<vmem>>, vector<1x1x16xi32>
    %swap3A_551 = vector.shape_cast %swap3A_550 : vector<1x1x16xi32> to vector<16xi32>
    %swap3A_552 = vector.shape_cast %reduce_min3A_525 : vector<16xi32> to vector<1x1x16xi32>
    tpu.vector_store %arg6[%swap3A_547, %swap3A_548, %swap3A_549], %swap3A_552 {strides = array<i32>} : memref<64x1x16xi32, #tpu.memory_space<vmem>>, vector<1x1x16xi32>,
    return
  }
  func.func @transform_0(%arg0: i32) -> (i32, i32, i32) {
    %c0_i32 = arith.constant 0 : i32
    %c0_i32_0 = arith.constant 0 : i32
    %c0_i32_1 = arith.constant 0 : i32
    %c0_i32_2 = arith.constant 0 : i32
    return %c0_i32, %c0_i32_0, %c0_i32_1 : i32, i32, i32
  }
  func.func @transform_1(%arg0: i32) -> (i32, i32, i32) {
    %c0_i32 = arith.constant 0 : i32
    %c0_i32_0 = arith.constant 0 : i32
    %c0_i32_1 = arith.constant 0 : i32
    %c0_i32_2 = arith.constant 0 : i32
    return %c0_i32, %c0_i32_0, %c0_i32_1 : i32, i32, i32
  }
  func.func @transform_2(%arg0: i32) -> (i32, i32, i32) {
    %c0_i32 = arith.constant 0 : i32
    %c0_i32_0 = arith.constant 0 : i32
    %c0_i32_1 = arith.constant 0 : i32
    return %arg0, %c0_i32, %c0_i32_0 : i32, i32, i32
  }
  func.func @transform_3(%arg0: i32) -> (i32, i32, i32) {
    %c0_i32 = arith.constant 0 : i32
    %c0_i32_0 = arith.constant 0 : i32
    %c0_i32_1 = arith.constant 0 : i32
    %c0_i32_2 = arith.constant 0 : i32
    return %c0_i32, %c0_i32_0, %c0_i32_1 : i32, i32, i32
  }
  func.func @transform_4(%arg0: i32) -> (i32, i32, i32) {
    %c0_i32 = arith.constant 0 : i32
    %c0_i32_0 = arith.constant 0 : i32
    %c0_i32_1 = arith.constant 0 : i32
    %c0_i32_2 = arith.constant 0 : i32
    return %c0_i32, %c0_i32_0, %c0_i32_1 : i32, i32, i32
  }
  func.func @transform_5(%arg0: i32) -> (i32, i32, i32) {
    %c0_i32 = arith.constant 0 : i32
    %c0_i32_0 = arith.constant 0 : i32
    %c0_i32_1 = arith.constant 0 : i32
    %c0_i32_2 = arith.constant 0 : i32
    return %c0_i32, %c0_i32_0, %c0_i32_1 : i32, i32, i32
  }
}

</mosaic_0001>

<sc_bundles>
// kernel: kernel.5.cloned.1.call-start
scs
__scs_entry_jumppad:
0x0: {  	(pc) =	sbr.rel $0x88, $3  }
0x1: {  	(tag) =	ssettag $0x0;
	lr =	simm.s32 $0x1  }
0x2: {  	[smem:$0x3F9F] =	sst lr;
	_ =	strace $0xD0000000  }
0x3: {  	_ = 	snop  }
0x4: {  	_ = 	snop  }
0x5: {  	_ = 	snop  }
0x6: {  	_ = 	snop  }
0x7: {  	_ = 	snop  }
__scs_overlays_trampoline_lowered:
0x8: {  	[smem:$0x3FAE] =	sst s0  }
0x9: {  	[smem:$0x3FAF] =	sst s1  }
0xa: {  	[smem:$0x3FB0] =	sst s2  }
0xb: {  	[smem:$0x3FB1] =	sst s3  }
0xc: {  	[smem:$0x3FB2] =	sst s4  }
0xd: {  	[smem:$0x3FB3] =	sst s5  }
0xe: {  	[smem:$0x3FB4] =	sst s6  }
0xf: {  	[smem:$0x3FB5] =	sst s7  }
0x10: {  	[smem:$0x3FB6] =	sst s8  }
0x11: {  	[smem:$0x3FB7] =	sst s9;
	s0 =	simm.s32 @!p0 $0x0  }
0x12: {  	s1 =	sld [smem:$0x3F9D];
	s0 =	simm.s32 @p0 $0x1  }
0x13: {  	[smem:$0x3FB8] =	sst s0;
	s0 =	simm.s32 @!p1 $0x0  }
0x14: {  	s2 =	sld [smem:$0x3F9C];
	s0 =	simm.s32 @p1 $0x1  }
0x15: {  	[smem:$0x3FB9] =	sst s0;
	s0 =	simm.s32 @!p2 $0x0  }
0x16: {  	s3 =	sld [smem:$0x3FDB];
	s0 =	simm.s32 @p2 $0x1  }
0x17: {  	s4 =	simm.s32 $0x1BF5;
	[smem:$0x3FBB] =	sst s0  }
0x18: {  	s0 =	sld [smem:$0x3F9E];
	_ =	swait.ge [sflag:s4], $0x0  }
0x19: {  	s7 =	sld [smem:$0x3F9F]  }
0x1a: {  	s8 =	sadd.s32 $0xFFFFE003, lr  }
0x1b: {  	s9 =	sadd.s32 $0xFFFFFEF7, lr;
	s5 =	simm.s32 $0xFFFFFFFF;
	p2 =	slt.u32 s8, $0xFFFFF086  }
0x1c: {  	p1 =	slt.u32 s9, $0xF7A;
	s5 =	simm.s32 @!p2 $0x0  }
0x1d: {  	s5 =	simm.s32 @p1 $0x1;
	p0 =	seq.s32 s7, s2  }
0x1e: {  	s7 =	smul.u32 @!p0 $0xF7A, s2;
	p2 =	seq.s32 @!p0 s5, $0x0  }
0x1f: {  	s9 =	smul.u32 $0xF7A, s1;
	s8 =	simm.s32 @!p0 $0x1BF5;
	p2 =	por !p2, p0  }
0x20: {  	[sflag:s8] =	ssyncset.s32 @!p0 $0xFFFFF086;
	s6 =	sadd.s32 @!p0 s3, s7;
	s7 =	simm.s32 @!p0 $0x108  }
0x21: {  	s3 =	sadd.s32 s3, s9;
	s6 =	sadd.s32 @!p0 $0x88, s6;
	s7 =	simm.s32 @p2 $0x1082  }
0x22: {  	[simem:s7], [sflag:s8] =	dma.local @!p0 [hbm:s6], $0xF7A  }
0x23: {  	s9 =	sor.u32 $0xD0000000, s2;
	s6 =	simm.s32 $0x108;
	_ =	swait.ge @!p0 [sflag:s8], $0x0  }
0x24: {  	s3 =	sadd.s32 $0x88, s3;
	s6 =	simm.s32 @!p1 $0x1082;
	[sflag:s4] =	ssyncset.s32 $0xFFFFF086  }
0x25: {  	[simem:s6], [sflag:s4] =	dma.local [hbm:s3], $0xF7A  }
0x26: {  	[smem:$0x3F9F] =	sst s1;
	(tag) =	ssettag s2;
	_ =	strace s9  }
0x27: {  	s1 =	sld [smem:$0x3FAF]  }
0x28: {  	s2 =	sld [smem:$0x3FB0]  }
0x29: {  	s4 =	sld [smem:$0x3FB2]  }
0x2a: {  	p0 =	seq.s32 s5, $0x0;
	s5 =	sld [smem:$0x3FB3]  }
0x2b: {  	s6 =	sld [smem:$0x3FB4]  }
0x2c: {  	s7 =	sld [smem:$0x3FB5]  }
0x2d: {  	s3 =	simm.s32 $0x108;
	s8 =	sld [smem:$0x3FB6]  }
0x2e: {  	s3 =	simm.s32 @!p0 $0x1082;
	s9 =	sld [smem:$0x3FB7]  }
0x2f: {  	lr =	sadd.s32 s0, s3;
	s0 =	sld [smem:$0x3FAE]  }
0x30: {  	s3 =	sld [smem:$0x3FB1]  }
0x31: {  	[smem:$0x3FBA] =	sst s10  }
0x32: {  	s10 =	sld [smem:$0x3FB8];
	_ =	sdelay $0x3  }
0x33: {  	p0 =	seq.s32 s10, $0x1;
	s10 =	sld [smem:$0x3FBA];
	_ =	sdelay $0x3  }
0x34: {  	[smem:$0x3FBA] =	sst s10  }
0x35: {  	s10 =	sld [smem:$0x3FB9];
	_ =	sdelay $0x3  }
0x36: {  	p1 =	seq.s32 s10, $0x1;
	s10 =	sld [smem:$0x3FBA];
	_ =	sdelay $0x3  }
0x37: {  	[smem:$0x3FBA] =	sst s10  }
0x38: {  	s10 =	sld [smem:$0x3FBB]  }
0x39: {  	_ = 	snop;
	(pc) =	sbr.ind lr, $3  }
0x3a: {  	_ = 	snop  }
0x3b: {  	_ = 	snop  }
0x3c: {  	p2 =	seq.s32 s10, $0x1;
	s10 =	sld [smem:$0x3FBA]  }
0x3d: {  	_ =	shalt  }
0x3e: {  	_ =	shalt  }
0x3f: {  	_ =	shalt  }
0x40: {  	_ =	shalt  }
0x41: {  	_ =	shalt  }
0x42: {  	_ =	shalt  }
0x43: {  	_ =	shalt  }
0x44: {  	_ =	shalt  }
0x45: {  	_ =	shalt  }
0x46: {  	_ =	shalt  }
0x47: {  	_ =	shalt  }
0x48: {  	_ =	shalt  }
0x49: {  	_ =	shalt  }
0x4a: {  	_ =	shalt  }
0x4b: {  	_ =	shalt  }
0x4c: {  	_ =	shalt  }
0x4d: {  	_ =	shalt  }
0x4e: {  	_ =	shalt  }
0x4f: {  	_ =	shalt  }
0x50: {  	_ =	shalt  }
0x51: {  	_ =	shalt  }
0x52: {  	_ =	shalt  }
0x53: {  	_ =	shalt  }
0x54: {  	_ =	shalt  }
0x55: {  	_ =	shalt  }
0x56: {  	_ =	shalt  }
0x57: {  	_ =	shalt  }
0x58: {  	_ =	shalt  }
0x59: {  	_ =	shalt  }
0x5a: {  	_ =	shalt  }
0x5b: {  	_ =	shalt  }
0x5c: {  	_ =	shalt  }
0x5d: {  	_ =	shalt  }
0x5e: {  	_ =	shalt  }
0x5f: {  	_ =	shalt  }
0x60: {  	_ =	shalt  }
0x61: {  	_ =	shalt  }
0x62: {  	_ =	shalt  }
0x63: {  	_ =	shalt  }
0x64: {  	_ =	shalt  }
0x65: {  	_ =	shalt  }
0x66: {  	_ =	shalt  }
0x67: {  	_ =	shalt  }
0x68: {  	_ =	shalt  }
0x69: {  	_ =	shalt  }
0x6a: {  	_ =	shalt  }
0x6b: {  	_ =	shalt  }
0x6c: {  	_ =	shalt  }
0x6d: {  	_ =	shalt  }
0x6e: {  	_ =	shalt  }
0x6f: {  	_ =	shalt  }
0x70: {  	_ =	shalt  }
0x71: {  	_ =	shalt  }
0x72: {  	_ =	shalt  }
0x73: {  	_ =	shalt  }
0x74: {  	_ =	shalt  }
0x75: {  	_ =	shalt  }
0x76: {  	_ =	shalt  }
0x77: {  	_ =	shalt  }
0x78: {  	_ =	shalt  }
0x79: {  	_ =	shalt  }
0x7a: {  	_ =	shalt  }
0x7b: {  	_ =	shalt  }
0x7c: {  	_ =	shalt  }
0x7d: {  	_ =	shalt  }
0x7e: {  	_ =	shalt  }
0x7f: {  	_ =	shalt  }
0x80: {  	_ =	shalt  }
0x81: {  	_ =	shalt  }
0x82: {  	_ =	shalt  }
0x83: {  	_ =	shalt  }
0x84: {  	_ =	shalt  }
0x85: {  	_ =	shalt  }
0x86: {  	_ =	shalt  }
0x87: {  	_ =	shalt  }
.Lfunc_end0:
.L_simem_size_0:
called_computation_lowered:
.L_overlay_start_0:
0x88: {  	s2 =	sld [smem:$0x3FD9]  }
0x89: {  	s3 =	sld [smem:$0x3FFE];
	_ =	sdelay $0x1  }
0x8a: {  	s1 =	srdreg.scid  }
0x8b: {  	s0 =	sand.u32 $0x1, s1  }
0x8c: {  	s14 =	sshll.u32 s0, $0xA;
	s2 =	sadd.s32 s3, s2  }
0x8d: {  	s2 =	sadd.s32 s2, s14  }
0x8e: {  	[smem:$0x3FC6] =	sst s2  }
0x8f: {  	_ = 	snop  }
0x90: {  	s2 =	sld [smem:$0x3FD0];
	_ =	sdelay $0x2  }
0x91: {  	s15 =	simm.s32 $0xA;
	s4 =	simm.s32 $0x10  }
0x92: {  	[smem:s4], [sflag:s15] =	dma.local [hbm:s2], $0x1  }
0x93: {  	_ =	swait.eq [sflag:s15], $0x1  }
0x94: {  	[sflag:s15] =	ssyncset.done $0x0  }
0x95: {  	[sflag:s15] =	ssyncadd.s32 $0xFFFFFFFF  }
0x96: {  	s16 =	sld [smem:$0x11];
	(tm) =	ssettm $0x1  }
0x97: {  	s17 =	sld [smem:$0x3FFB];
	_ =	sdelay $0x3  }
0x98: {  	_ =	strace s17  }
0x99: {  	s3 =	sld [smem:$0x3FFC];
	_ =	sdelay $0x3  }
0x9a: {  	_ =	strace s3  }
0x9b: {  	s3 =	sld [smem:$0x3FFD];
	_ =	sdelay $0x3  }
0x9c: {  	_ =	strace s3  }
0x9d: {  	_ =	strace $0x8FFFFFFF  }
0x9e: {  	s18 =	sld [smem:$0x3FDB];
	_ =	sdelay $0x1  }
0x9f: {  	s19 =	simm.s32 $_scs_section_size  }
0xa0: {  	s5 =	simm.s32 $_size__tile_overlayer_lowered;
	s6 =	simm.s32 $_tile_overlayer_lowered  }
0xa1: {  	s22 =	simm.s32 $0x1BFF;
	s21 =	sshll.u32 s6, $0x1;
	s3 =	sadd.s32 s19, s18  }
0xa2: {  	s7 =	simm.s32 $0x0;
	s20 =	sshll.u32 s5, $0x1;
	s5 =	sadd.s32 s21, s3  }
0xa3: {  	[timem:s7], [sflag:s22] =	dma.local [hbm:s5], s20  }
0xa4: {  	_ =	swait.ge [sflag:s22], s20  }
0xa5: {  	s4 =	ssub.s32 $0x0, s20;
	[sflag:s22] =	ssyncset.done $0x0  }
0xa6: {  	[sflag:s22] =	ssyncadd.s32 s4;
	_ =	sdelay $0x1  }
0xa7: {  	s23 =	simm.s32 $0x1B8B  }
0xa8: {  	_ =	swait.ge [sflag:s23], $0x1  }
0xa9: {  	[sflag:s23] =	ssyncset.done $0x0  }
0xaa: {  	s25 =	simm.s32 $0x1B8E;
	s24 =	sld [smem:$0x3FFE];
	[sflag:s23] =	ssyncadd.s32 $0xFFFFFFFF  }
0xab: {  	s26 =	simm.s32 $execute0_lowered;
	[smem:$0x3FD2] =	sst s25  }
0xac: {  	s5 =	sshll.u32 s26, $0x1;
	_ =	strace $0x80000046;
	[dreg:$0x1] =	wrdreg $0xFFFFFFFF  }
0xad: {  	s28 =	simm.s32 $_size_execute0_lowered;
	s3 =	sadd.s32 s3, s5;
	[dreg:$0x0] =	wrdreg $0x0  }
0xae: {  	s5 =	sshll.u32 s28, $0x1;
	[dreg:$0x2] =	wrdreg s3  }
0xaf: {  	[dreg:$0x3] =	wrdreg s5  }
0xb0: {  	[dreg:$0x4] =	wrdreg $0xC0  }
0xb1: {  	_ =	task [dreg:s7], $0x5FFFF  }
0xb2: {  	[dreg:$0x1] =	wrdreg $0xFFFFFFFF  }
0xb3: {  	[dreg:$0x0] =	wrdreg $0x60  }
0xb4: {  	[dreg:$0x2] =	wrdreg s16  }
0xb5: {  	[dreg:$0x3] =	wrdreg s24  }
0xb6: {  	[dreg:$0x4] =	wrdreg $0x9  }
0xb7: {  	_ =	task.clear_ibuf [dreg:s7], $0x5FFFF;
	_ =	strace $0x90000046  }
0xb8: {  	s29 =	simm.s32 $0x9;
	_ =	strace $0x80000048  }
0xb9: {  	_ =	swait.ge [sflag:s29], $0x1  }
0xba: {  	[sflag:s29] =	ssyncadd.s32 $0xFFFFFFFF  }
0xbb: {  	_ =	strace $0x90000048  }
0xbc: {  	_ =	sfence  }
0xbd: {  	s30 =	sld [smem:$0x0];
	_ =	sdelay $0x2  }
0xbe: {  	s31 =	sshll.u32 s1, $0xD;
	s1 =	sshrl.u32 s1, $0x2  }
0xbf: {  	s3 =	sand.u32 $0x4000, s31;
	s1 =	sadd.s32 s1, s30  }
0xc0: {  	s0 =	sor.u32 s3, s0;
	s1 =	sshll.u32 s1, $0x11  }
0xc1: {  	s0 =	sor.u32 s1, s0  }
0xc2: {  	s0 =	sadd.s32 $0x8F2B, s0  }
0xc3: {  	[sflag:s0] =	ssyncadd.remote.s32 $0x1  }
0xc4: {  	_ =	sfence.sel $0xFFFF  }
0xc5: {  	[dreg:$0x0] =	wrdreg $0xFFFFFFFF;
	(pc) =	sbr.abs _section_cstart, $3  }
0xc6: {  	[dreg:$0x1] =	wrdreg $0xFFFFFFFF  }
0xc7: {  	_ =	task.clear_ibuf [dreg:s7], $0x2FFFF;
	_ =	strace $0x9FFFFFFF  }
0xc8: {  	(tm) =	ssettm $0x7FFFFFFF  }
0xc9: {  	_ =	shalt  }
tec
execute0_lowered:
.L_overlay_start_1:
0x0: {  	(tag) =	ssettag $0x1  }
0x1: {  	s1 =	rddreg [dreg:$0x0]  }
0x2: {  	s5 =	rddreg [dreg:$0x1]  }
0x3: {  	s0 =	rddreg [dreg:$0x2]  }
0x4: {  	s3 =	simm.s32 $0x0;
	s4 =	srdreg.scid;
	s2 =	stileid.u32  }
0x5: {  	[smem:$0x7FF] =	sst s3;
	s10 =	sand.u32 $0x1, s4;
	s6 =	sshll.u32 s2, $0x10  }
0x6: {  	s4 =	simm.s32 $0x2;
	_ =	strace $0x80000047;
	s7 =	sshll.u32 s10, $0xF  }
0x7: {  	[tilespmem:s3], [sflag:$0x2] =	stream.linear.gather [hbm4b:s1+s3], $0x10000, $0x38;
	[tilespmem:$0x10000] =	vst v63  }
0x8: {  	s6 =	sor.u32 s7, s6;
	_ =	swait.ge [sflag:s4], $0x10000  }
0x9: {  	s8 =	sadd.s32 s6, s5;
	[sflag:s4] =	ssyncset.done $0x0  }
0xa: {  	s5 =	sadd.s32 $0xA00, s8;
	[sflag:s4] =	ssyncadd.s32 $0xFFFF0000  }
0xb: {  	[hbm4b:s5+s3] =	stream.linear.scatter [tilespmem:s3], [sflag:$0x1], $0x10000, $0x38;
	[tilespmem:$0x10000] =	vst v63  }
0xc: {  	s6 =	sadd.s32 $0x2A00, s8  }
0xd: {  	[hbm4b:s6+s3] =	stream.linear.scatter [tilespmem:s3], [sflag:$0x1], $0x10000, $0x38;
	[tilespmem:$0x10000] =	vst v63  }
0xe: {  	s7 =	sadd.s32 $0x4A00, s8  }
0xf: {  	[hbm4b:s7+s3] =	stream.linear.scatter [tilespmem:s3], [sflag:$0x1], $0x10000, $0x38;
	[tilespmem:$0x10000] =	vst v63  }
0x10: {  	s9 =	sadd.s32 $0x6A00, s8;
	s8 =	simm.s32 $0x1  }
0x11: {  	[hbm4b:s9+s3] =	stream.linear.scatter [tilespmem:s3], [sflag:$0x1], $0x10000, $0x38;
	[tilespmem:$0x10000] =	vst v63  }
0x12: {  	_ =	swait.ge [sflag:s8], $0x10000  }
0x13: {  	s10 =	ssub.s32 $0x2, s10;
	[sflag:s8] =	ssyncset.done $0x0  }
0x14: {  	s11 =	sshrl.u32 s10, $0x1;
	[sflag:s8] =	ssyncadd.s32 $0xFFFF0000  }
0x15: {  	s10 =	ssub.s32 s10, s11;
	_ =	swait.ge [sflag:s8], $0x10000  }
0x16: {  	s10 =	smax.u32 s10, $0x1;
	[sflag:s8] =	ssyncset.done $0x0  }
0x17: {  	p0 =	sne.s32 s10, $0x1;
	[sflag:s8] =	ssyncadd.s32 $0xFFFF0000  }
.Ltmp0:
0x18: {  	_ =	swait.ge [sflag:s8], $0x10000;
	(pc) =	sbr.rel @!p0 .LBB2_2-.Ltmp0, $4  }
0x19: {  	[sflag:s8] =	ssyncset.done $0x0  }
0x1a: {  	[sflag:s8] =	ssyncadd.s32 $0xFFFF0000  }
0x1b: {  	_ =	swait.ge [sflag:s8], $0x10000  }
0x1c: {  	s10 =	sadd.s32 $0xFFFFFFFF, s10;
	[sflag:s8] =	ssyncset.done $0x0  }
.LBB2_1:
0x1d: {  	p0 =	sne.s32 s10, $0x1;
	s10 =	sadd.s32 $0xFFFFFFFF, s10;
	[sflag:s8] =	ssyncadd.s32 $0xFFFF0000  }
0x1e: {  	[tilespmem:s3], [sflag:$0x2] =	stream.linear.gather [hbm4b:s1+s3], $0x10000, $0x38;
	[tilespmem:$0x10000] =	vst v63  }
0x1f: {  	_ =	swait.ge [sflag:s4], $0x10000  }
0x20: {  	[sflag:s4] =	ssyncset.done $0x0  }
0x21: {  	[sflag:s4] =	ssyncadd.s32 $0xFFFF0000  }
0x22: {  	[hbm4b:s5+s3] =	stream.linear.scatter [tilespmem:s3], [sflag:$0x1], $0x10000, $0x38;
	[tilespmem:$0x10000] =	vst v63  }
0x23: {  	_ = 	snop  }
0x24: {  	[hbm4b:s6+s3] =	stream.linear.scatter [tilespmem:s3], [sflag:$0x1], $0x10000, $0x38;
	[tilespmem:$0x10000] =	vst v63  }
0x25: {  	_ = 	snop  }
0x26: {  	[hbm4b:s7+s3] =	stream.linear.scatter [tilespmem:s3], [sflag:$0x1], $0x10000, $0x38;
	[tilespmem:$0x10000] =	vst v63  }
0x27: {  	_ = 	snop  }
0x28: {  	[hbm4b:s9+s3] =	stream.linear.scatter [tilespmem:s3], [sflag:$0x1], $0x10000, $0x38;
	[tilespmem:$0x10000] =	vst v63  }
0x29: {  	_ =	swait.ge [sflag:s8], $0x10000  }
0x2a: {  	[sflag:s8] =	ssyncset.done $0x0  }
0x2b: {  	[sflag:s8] =	ssyncadd.s32 $0xFFFF0000  }
0x2c: {  	_ =	swait.ge [sflag:s8], $0x10000  }
0x2d: {  	[sflag:s8] =	ssyncset.done $0x0  }
0x2e: {  	[sflag:s8] =	ssyncadd.s32 $0xFFFF0000  }
.Ltmp1:
0x2f: {  	_ =	swait.ge [sflag:s8], $0x10000;
	(pc) =	sbr.rel @p0 .LBB2_1-.Ltmp1, $4  }
0x30: {  	[sflag:s8] =	ssyncset.done $0x0  }
0x31: {  	[sflag:s8] =	ssyncadd.s32 $0xFFFF0000  }
0x32: {  	_ =	swait.ge [sflag:s8], $0x10000  }
0x33: {  	[sflag:s8] =	ssyncset.done $0x0  }
.LBB2_2:
0x34: {  	[sflag:s8] =	ssyncadd.s32 $0xFFFF0000  }
0x35: {  	_ =	sfence.sel $0x180000  }
0x36: {  	[bflag:$0x0] =	sbarrier.arrive $0xFFFF  }
0x37: {  	p0 =	sne.s32 s2, $0x0;
	_ =	strace $0x90000047  }
0x38: {  	s0 =	sadd.s32 @!p0 $0x100000, s0;
	[bflag:$0x2] =	sbarrier.arrive $0xFFFF  }
0x39: {  	[sflag:s0] =	ssyncadd.tile.s32 @!p0 $0x1;
	_ =	shalt  }
.Lfunc_end2:
_tile_overlayer_lowered:
.L_overlay_start_2:
0x3a: {  	(tag) =	ssettag $0x2  }
0x3b: {  	s0 =	rddreg [dreg:$0x0];
	s2 =	stileid.u32  }
0x3c: {  	s1 =	rddreg [dreg:$0x1];
	p0 =	sne.s32 s2, $0x0  }
0x3d: {  	s3 =	rddreg [dreg:$0x2];
	[bflag:$0x3] =	sbarrier.arrive $0xFFFF;
	s2 =	simm.s32 @!p0 $0x1C02  }
0x3e: {  	[timem:s3], [sflag:s2] =	dma.local @!p0 [hbm:s0], s1  }
0x3f: {  	s0 =	simm.s32 @!p0 $0x2  }
0x40: {  	_ =	swait.ge @!p0 [sflag:s0], s1  }
0x41: {  	s1 =	ssub.s32 @!p0 $0x0, s1;
	[sflag:s0] =	ssyncset.done @!p0 $0x0  }
0x42: {  	[sflag:s0] =	ssyncadd.s32 @!p0 s1  }
0x43: {  	[bflag:$0x3] =	sbarrier.arrive $0xFFFF  }
0x44: {  	_ =	shalt  }

// kernel: kernel.8.cloned.1.call-start
scs
__scs_entry_jumppad:
0x0: {  	(pc) =	sbr.rel $0x88, $3  }
0x1: {  	(tag) =	ssettag $0x0;
	lr =	simm.s32 $0x1  }
0x2: {  	[smem:$0x3F9F] =	sst lr;
	_ =	strace $0xD0000000  }
0x3: {  	_ = 	snop  }
0x4: {  	_ = 	snop  }
0x5: {  	_ = 	snop  }
0x6: {  	_ = 	snop  }
0x7: {  	_ = 	snop  }
__scs_overlays_trampoline_lowered:
0x8: {  	[smem:$0x3FAE] =	sst s0  }
0x9: {  	[smem:$0x3FAF] =	sst s1  }
0xa: {  	[smem:$0x3FB0] =	sst s2  }
0xb: {  	[smem:$0x3FB1] =	sst s3  }
0xc: {  	[smem:$0x3FB2] =	sst s4  }
0xd: {  	[smem:$0x3FB3] =	sst s5  }
0xe: {  	[smem:$0x3FB4] =	sst s6  }
0xf: {  	[smem:$0x3FB5] =	sst s7  }
0x10: {  	[smem:$0x3FB6] =	sst s8  }
0x11: {  	[smem:$0x3FB7] =	sst s9;
	s0 =	simm.s32 @!p0 $0x0  }
0x12: {  	s1 =	sld [smem:$0x3F9D];
	s0 =	simm.s32 @p0 $0x1  }
0x13: {  	[smem:$0x3FB8] =	sst s0;
	s0 =	simm.s32 @!p1 $0x0  }
0x14: {  	s2 =	sld [smem:$0x3F9C];
	s0 =	simm.s32 @p1 $0x1  }
0x15: {  	[smem:$0x3FB9] =	sst s0;
	s0 =	simm.s32 @!p2 $0x0  }
0x16: {  	s3 =	sld [smem:$0x3FDB];
	s0 =	simm.s32 @p2 $0x1  }
0x17: {  	s4 =	simm.s32 $0x1BF5;
	[smem:$0x3FBB] =	sst s0  }
0x18: {  	s0 =	sld [smem:$0x3F9E];
	_ =	swait.ge [sflag:s4], $0x0  }
0x19: {  	s7 =	sld [smem:$0x3F9F]  }
0x1a: {  	s8 =	sadd.s32 $0xFFFFE003, lr  }
0x1b: {  	s9 =	sadd.s32 $0xFFFFFEF7, lr;
	s5 =	simm.s32 $0xFFFFFFFF;
	p2 =	slt.u32 s8, $0xFFFFF086  }
0x1c: {  	p1 =	slt.u32 s9, $0xF7A;
	s5 =	simm.s32 @!p2 $0x0  }
0x1d: {  	s5 =	simm.s32 @p1 $0x1;
	p0 =	seq.s32 s7, s2  }
0x1e: {  	s7 =	smul.u32 @!p0 $0xF7A, s2;
	p2 =	seq.s32 @!p0 s5, $0x0  }
0x1f: {  	s9 =	smul.u32 $0xF7A, s1;
	s8 =	simm.s32 @!p0 $0x1BF5;
	p2 =	por !p2, p0  }
0x20: {  	[sflag:s8] =	ssyncset.s32 @!p0 $0xFFFFF086;
	s6 =	sadd.s32 @!p0 s3, s7;
	s7 =	simm.s32 @!p0 $0x108  }
0x21: {  	s3 =	sadd.s32 s3, s9;
	s6 =	sadd.s32 @!p0 $0x88, s6;
	s7 =	simm.s32 @p2 $0x1082  }
0x22: {  	[simem:s7], [sflag:s8] =	dma.local @!p0 [hbm:s6], $0xF7A  }
0x23: {  	s9 =	sor.u32 $0xD0000000, s2;
	s6 =	simm.s32 $0x108;
	_ =	swait.ge @!p0 [sflag:s8], $0x0  }
0x24: {  	s3 =	sadd.s32 $0x88, s3;
	s6 =	simm.s32 @!p1 $0x1082;
	[sflag:s4] =	ssyncset.s32 $0xFFFFF086  }
0x25: {  	[simem:s6], [sflag:s4] =	dma.local [hbm:s3], $0xF7A  }
0x26: {  	[smem:$0x3F9F] =	sst s1;
	(tag) =	ssettag s2;
	_ =	strace s9  }
0x27: {  	s1 =	sld [smem:$0x3FAF]  }
0x28: {  	s2 =	sld [smem:$0x3FB0]  }
0x29: {  	s4 =	sld [smem:$0x3FB2]  }
0x2a: {  	p0 =	seq.s32 s5, $0x0;
	s5 =	sld [smem:$0x3FB3]  }
0x2b: {  	s6 =	sld [smem:$0x3FB4]  }
0x2c: {  	s7 =	sld [smem:$0x3FB5]  }
0x2d: {  	s3 =	simm.s32 $0x108;
	s8 =	sld [smem:$0x3FB6]  }
0x2e: {  	s3 =	simm.s32 @!p0 $0x1082;
	s9 =	sld [smem:$0x3FB7]  }
0x2f: {  	lr =	sadd.s32 s0, s3;
	s0 =	sld [smem:$0x3FAE]  }
0x30: {  	s3 =	sld [smem:$0x3FB1]  }
0x31: {  	[smem:$0x3FBA] =	sst s10  }
0x32: {  	s10 =	sld [smem:$0x3FB8];
	_ =	sdelay $0x3  }
0x33: {  	p0 =	seq.s32 s10, $0x1;
	s10 =	sld [smem:$0x3FBA];
	_ =	sdelay $0x3  }
0x34: {  	[smem:$0x3FBA] =	sst s10  }
0x35: {  	s10 =	sld [smem:$0x3FB9];
	_ =	sdelay $0x3  }
0x36: {  	p1 =	seq.s32 s10, $0x1;
	s10 =	sld [smem:$0x3FBA];
	_ =	sdelay $0x3  }
0x37: {  	[smem:$0x3FBA] =	sst s10  }
0x38: {  	s10 =	sld [smem:$0x3FBB]  }
0x39: {  	_ = 	snop;
	(pc) =	sbr.ind lr, $3  }
0x3a: {  	_ = 	snop  }
0x3b: {  	_ = 	snop  }
0x3c: {  	p2 =	seq.s32 s10, $0x1;
	s10 =	sld [smem:$0x3FBA]  }
0x3d: {  	_ =	shalt  }
0x3e: {  	_ =	shalt  }
0x3f: {  	_ =	shalt  }
0x40: {  	_ =	shalt  }
0x41: {  	_ =	shalt  }
0x42: {  	_ =	shalt  }
0x43: {  	_ =	shalt  }
0x44: {  	_ =	shalt  }
0x45: {  	_ =	shalt  }
0x46: {  	_ =	shalt  }
0x47: {  	_ =	shalt  }
0x48: {  	_ =	shalt  }
0x49: {  	_ =	shalt  }
0x4a: {  	_ =	shalt  }
0x4b: {  	_ =	shalt  }
0x4c: {  	_ =	shalt  }
0x4d: {  	_ =	shalt  }
0x4e: {  	_ =	shalt  }
0x4f: {  	_ =	shalt  }
0x50: {  	_ =	shalt  }
0x51: {  	_ =	shalt  }
0x52: {  	_ =	shalt  }
0x53: {  	_ =	shalt  }
0x54: {  	_ =	shalt  }
0x55: {  	_ =	shalt  }
0x56: {  	_ =	shalt  }
0x57: {  	_ =	shalt  }
0x58: {  	_ =	shalt  }
0x59: {  	_ =	shalt  }
0x5a: {  	_ =	shalt  }
0x5b: {  	_ =	shalt  }
0x5c: {  	_ =	shalt  }
0x5d: {  	_ =	shalt  }
0x5e: {  	_ =	shalt  }
0x5f: {  	_ =	shalt  }
0x60: {  	_ =	shalt  }
0x61: {  	_ =	shalt  }
0x62: {  	_ =	shalt  }
0x63: {  	_ =	shalt  }
0x64: {  	_ =	shalt  }
0x65: {  	_ =	shalt  }
0x66: {  	_ =	shalt  }
0x67: {  	_ =	shalt  }
0x68: {  	_ =	shalt  }
0x69: {  	_ =	shalt  }
0x6a: {  	_ =	shalt  }
0x6b: {  	_ =	shalt  }
0x6c: {  	_ =	shalt  }
0x6d: {  	_ =	shalt  }
0x6e: {  	_ =	shalt  }
0x6f: {  	_ =	shalt  }
0x70: {  	_ =	shalt  }
0x71: {  	_ =	shalt  }
0x72: {  	_ =	shalt  }
0x73: {  	_ =	shalt  }
0x74: {  	_ =	shalt  }
0x75: {  	_ =	shalt  }
0x76: {  	_ =	shalt  }
0x77: {  	_ =	shalt  }
0x78: {  	_ =	shalt  }
0x79: {  	_ =	shalt  }
0x7a: {  	_ =	shalt  }
0x7b: {  	_ =	shalt  }
0x7c: {  	_ =	shalt  }
0x7d: {  	_ =	shalt  }
0x7e: {  	_ =	shalt  }
0x7f: {  	_ =	shalt  }
0x80: {  	_ =	shalt  }
0x81: {  	_ =	shalt  }
0x82: {  	_ =	shalt  }
0x83: {  	_ =	shalt  }
0x84: {  	_ =	shalt  }
0x85: {  	_ =	shalt  }
0x86: {  	_ =	shalt  }
0x87: {  	_ =	shalt  }
.Lfunc_end0:
.L_simem_size_0:
called_computation.1_lowered:
.L_overlay_start_0:
0x88: {  	s2 =	sld [smem:$0x3FD9]  }
0x89: {  	s3 =	sld [smem:$0x3FFE];
	_ =	sdelay $0x1  }
0x8a: {  	s1 =	srdreg.scid  }
0x8b: {  	s0 =	sand.u32 $0x1, s1  }
0x8c: {  	s14 =	sshll.u32 s0, $0xA;
	s2 =	sadd.s32 s3, s2  }
0x8d: {  	s2 =	sadd.s32 s2, s14  }
0x8e: {  	[smem:$0x3FC6] =	sst s2  }
0x8f: {  	_ = 	snop  }
0x90: {  	s2 =	sld [smem:$0x3FD0];
	_ =	sdelay $0x2  }
0x91: {  	s15 =	simm.s32 $0xA;
	s4 =	simm.s32 $0x10  }
0x92: {  	[smem:s4], [sflag:s15] =	dma.local [hbm:s2], $0x1  }
0x93: {  	_ =	swait.eq [sflag:s15], $0x1  }
0x94: {  	[sflag:s15] =	ssyncset.done $0x0  }
0x95: {  	[sflag:s15] =	ssyncadd.s32 $0xFFFFFFFF  }
0x96: {  	s16 =	sld [smem:$0x13];
	(tm) =	ssettm $0x1  }
0x97: {  	s17 =	sld [smem:$0x3FFB];
	_ =	sdelay $0x3  }
0x98: {  	_ =	strace s17  }
0x99: {  	s3 =	sld [smem:$0x3FFC];
	_ =	sdelay $0x3  }
0x9a: {  	_ =	strace s3  }
0x9b: {  	s3 =	sld [smem:$0x3FFD];
	_ =	sdelay $0x3  }
0x9c: {  	_ =	strace s3  }
0x9d: {  	_ =	strace $0x8FFFFFFF  }
0x9e: {  	s18 =	sld [smem:$0x3FDB];
	_ =	sdelay $0x1  }
0x9f: {  	s19 =	simm.s32 $_scs_section_size  }
0xa0: {  	s5 =	simm.s32 $_size__tile_overlayer_lowered;
	s6 =	simm.s32 $_tile_overlayer_lowered  }
0xa1: {  	s22 =	simm.s32 $0x1BFF;
	s21 =	sshll.u32 s6, $0x1;
	s3 =	sadd.s32 s19, s18  }
0xa2: {  	s7 =	simm.s32 $0x0;
	s20 =	sshll.u32 s5, $0x1;
	s5 =	sadd.s32 s21, s3  }
0xa3: {  	[timem:s7], [sflag:s22] =	dma.local [hbm:s5], s20  }
0xa4: {  	_ =	swait.ge [sflag:s22], s20  }
0xa5: {  	s4 =	ssub.s32 $0x0, s20;
	[sflag:s22] =	ssyncset.done $0x0  }
0xa6: {  	[sflag:s22] =	ssyncadd.s32 s4;
	_ =	sdelay $0x1  }
0xa7: {  	s23 =	simm.s32 $0x1B8B  }
0xa8: {  	_ =	swait.ge [sflag:s23], $0x1  }
0xa9: {  	[sflag:s23] =	ssyncset.done $0x0  }
0xaa: {  	s25 =	simm.s32 $0x1B8E;
	s24 =	sld [smem:$0x3FFE];
	[sflag:s23] =	ssyncadd.s32 $0xFFFFFFFF  }
0xab: {  	s26 =	simm.s32 $execute0_lowered;
	[smem:$0x3FD2] =	sst s25  }
0xac: {  	s5 =	sshll.u32 s26, $0x1;
	_ =	strace $0x80000049;
	[dreg:$0x1] =	wrdreg $0xFFFFFFFF  }
0xad: {  	s28 =	simm.s32 $_size_execute0_lowered;
	s3 =	sadd.s32 s3, s5;
	[dreg:$0x0] =	wrdreg $0x0  }
0xae: {  	s5 =	sshll.u32 s28, $0x1;
	[dreg:$0x2] =	wrdreg s3  }
0xaf: {  	[dreg:$0x3] =	wrdreg s5  }
0xb0: {  	[dreg:$0x4] =	wrdreg $0xC0  }
0xb1: {  	_ =	task [dreg:s7], $0x5FFFF  }
0xb2: {  	[dreg:$0x1] =	wrdreg $0xFFFFFFFF  }
0xb3: {  	[dreg:$0x0] =	wrdreg $0x60  }
0xb4: {  	[dreg:$0x2] =	wrdreg s16  }
0xb5: {  	[dreg:$0x3] =	wrdreg s24  }
0xb6: {  	[dreg:$0x4] =	wrdreg $0x9  }
0xb7: {  	_ =	task.clear_ibuf [dreg:s7], $0x5FFFF;
	_ =	strace $0x90000049  }
0xb8: {  	s29 =	simm.s32 $0x9;
	_ =	strace $0x8000004B  }
0xb9: {  	_ =	swait.ge [sflag:s29], $0x1  }
0xba: {  	[sflag:s29] =	ssyncadd.s32 $0xFFFFFFFF  }
0xbb: {  	_ =	strace $0x9000004B  }
0xbc: {  	_ =	sfence  }
0xbd: {  	s30 =	sld [smem:$0x0];
	_ =	sdelay $0x2  }
0xbe: {  	s31 =	sshll.u32 s1, $0xD;
	s1 =	sshrl.u32 s1, $0x2  }
0xbf: {  	s3 =	sand.u32 $0x4000, s31;
	s1 =	sadd.s32 s1, s30  }
0xc0: {  	s0 =	sor.u32 s3, s0;
	s1 =	sshll.u32 s1, $0x11  }
0xc1: {  	s0 =	sor.u32 s1, s0  }
0xc2: {  	s0 =	sadd.s32 $0x8F2B, s0  }
0xc3: {  	[sflag:s0] =	ssyncadd.remote.s32 $0x1  }
0xc4: {  	_ =	sfence.sel $0xFFFF  }
0xc5: {  	[dreg:$0x0] =	wrdreg $0xFFFFFFFF;
	(pc) =	sbr.abs _section_cstart, $3  }
0xc6: {  	[dreg:$0x1] =	wrdreg $0xFFFFFFFF  }
0xc7: {  	_ =	task.clear_ibuf [dreg:s7], $0x2FFFF;
	_ =	strace $0x9FFFFFFF  }
0xc8: {  	(tm) =	ssettm $0x7FFFFFFF  }
0xc9: {  	_ =	shalt  }
tec
execute0_lowered:
.L_overlay_start_1:
0x0: {  	(tag) =	ssettag $0x1  }
0x1: {  	s1 =	srdreg.scid  }
0x2: {  	s3 =	rddreg [dreg:$0x0];
	s0 =	stileid.u32;
	s5 =	sand.u32 $0x1, s1  }
0x3: {  	s6 =	rddreg [dreg:$0x1];
	s4 =	sshll.u32 s0, $0x6;
	s7 =	sshll.u32 s5, $0x5  }
0x4: {  	s2 =	simm.s32 $0x0;
	s1 =	rddreg [dreg:$0x2];
	s7 =	sor.u32 s7, s4  }
0x5: {  	[smem:$0x7FF] =	sst s2;
	s4 =	sshrl.u32 s7, $0x3  }
0x6: {  	_ =	strace $0x8000004A;
	s3 =	sadd.s32 s3, s4;
	s4 =	simm.s32 $0x2  }
0x7: {  	[tilespmem:s2], [sflag:$0x2] =	stream.linear.gather [hbm4b:s3+s2], $0x20, $0x38;
	[tilespmem:$0x180] =	vst v63  }
0x8: {  	_ =	swait.ge [sflag:s4], $0x20  }
0x9: {  	[sflag:s4] =	ssyncset.done $0x0  }
0xa: {  	[sflag:s4] =	ssyncadd.s32 $0xFFFFFFE0  }
0xb: {  	s5 =	ssub.s32 $0x2, s5;
	v3 =	vld [tilespmem:$0x0]  }
0xc: {  	v0 =	vlaneseq.u32;
	s31 =	sshrl.u32 s5, $0x1;
	v1 =	vmov s7;
	s7 =	sor.u32 $0x10, s7;
	v4 =	vld [tilespmem:$0x10]  }
0xd: {  	v2 =	vmul.u32 $0x2000, v0;
	v5 =	vmov s7;
	s7 =	ssub.s32 s5, s31  }
0xe: {  	v0 =	vimm.f32 $1.000000000e+00;
	v1 =	vshll.u32 v1, $0xD;
	s10 =	smax.u32 s7, $0x1  }
0xf: {  	v1 =	vor.u32 v2, v1;
	v5 =	vshll.u32 v5, $0xD;
	p0 =	sne.s32 s10, $0x1;
	[tilespmem:$0x100] =	vst v0  }
.Ltmp0:
0x10: {  	v2 =	vor.u32 v2, v5;
	[tilespmem:$0x110] =	vst v0;
	v3 =	vadd.s32 v1, v3;
	(pc) =	sbr.rel @!p0 .LBB2_2-.Ltmp0, $4  }
0x11: {  	s8 =	simm.s32 $0x100;
	s9 =	simm.s32 $0x1;
	[tilespmem:$0x80] =	vst v3;
	v3 =	vadd.s32 v2, v4  }
0x12: {  	s5 =	sadd.s32 $0xA00, s6;
	s6 =	simm.s32 $0x20;
	s7 =	simm.s32 $0x80;
	[tilespmem:$0x90] =	vst v3  }
0x13: {  	[hbm4b:s5+s6] =	stream.indirect.scatter [tilespmem:s8], [sflag:$0x1], $0x1, s7, s6, $0xb8;
	[tilespmem:$0x180] =	vst v63  }
0x14: {  	s10 =	sadd.s32 $0xFFFFFFFF, s10;
	_ =	swait.ge [sflag:s9], $0x20  }
.LBB2_1:
0x15: {  	p0 =	sne.s32 s10, $0x1;
	s10 =	sadd.s32 $0xFFFFFFFF, s10;
	[sflag:s9] =	ssyncset.done $0x0  }
0x16: {  	[sflag:s9] =	ssyncadd.s32 $0xFFFFFFE0  }
0x17: {  	[tilespmem:s2], [sflag:$0x2] =	stream.linear.gather [hbm4b:s3+s2], $0x20, $0x38;
	[tilespmem:$0x180] =	vst v63  }
0x18: {  	_ =	swait.ge [sflag:s4], $0x20  }
0x19: {  	[sflag:s4] =	ssyncset.done $0x0  }
0x1a: {  	[sflag:s4] =	ssyncadd.s32 $0xFFFFFFE0  }
0x1b: {  	v3 =	vld [tilespmem:$0x0];
	[tilespmem:$0x100] =	vst v0  }
0x1c: {  	v4 =	vld [tilespmem:$0x10];
	[tilespmem:$0x110] =	vst v0;
	_ =	sdelay $0x3  }
.Ltmp1:
0x1d: {  	v3 =	vadd.s32 v1, v3;
	(pc) =	sbr.rel @p0 .LBB2_1-.Ltmp1, $4  }
0x1e: {  	[tilespmem:$0x80] =	vst v3;
	v3 =	vadd.s32 v2, v4  }
0x1f: {  	[tilespmem:$0x90] =	vst v3  }
0x20: {  	[hbm4b:s5+s6] =	stream.indirect.scatter [tilespmem:s8], [sflag:$0x1], $0x1, s7, s6, $0xb8;
	[tilespmem:$0x180] =	vst v63  }
0x21: {  	_ =	swait.ge [sflag:s9], $0x20  }
.LBB2_2:
0x22: {  	[sflag:s9] =	ssyncset.done $0x0  }
0x23: {  	[sflag:s9] =	ssyncadd.s32 $0xFFFFFFE0  }
0x24: {  	_ =	sfence.sel $0x180000  }
0x25: {  	[bflag:$0x0] =	sbarrier.arrive $0xFFFF  }
0x26: {  	p0 =	sne.s32 s0, $0x0;
	_ =	strace $0x9000004A  }
0x27: {  	s0 =	sadd.s32 @!p0 $0x100000, s1;
	[bflag:$0x2] =	sbarrier.arrive $0xFFFF  }
0x28: {  	[sflag:s0] =	ssyncadd.tile.s32 @!p0 $0x1;
	_ =	shalt  }
.Lfunc_end2:
_tile_overlayer_lowered:
.L_overlay_start_2:
0x29: {  	(tag) =	ssettag $0x2  }
0x2a: {  	s0 =	rddreg [dreg:$0x0];
	s2 =	stileid.u32  }
0x2b: {  	s1 =	rddreg [dreg:$0x1];
	p0 =	sne.s32 s2, $0x0  }
0x2c: {  	s3 =	rddreg [dreg:$0x2];
	[bflag:$0x3] =	sbarrier.arrive $0xFFFF;
	s2 =	simm.s32 @!p0 $0x1C02  }
0x2d: {  	[timem:s3], [sflag:s2] =	dma.local @!p0 [hbm:s0], s1  }
0x2e: {  	s0 =	simm.s32 @!p0 $0x2  }
0x2f: {  	_ =	swait.ge @!p0 [sflag:s0], s1  }
0x30: {  	s1 =	ssub.s32 @!p0 $0x0, s1;
	[sflag:s0] =	ssyncset.done @!p0 $0x0  }
0x31: {  	[sflag:s0] =	ssyncadd.s32 @!p0 s1  }
0x32: {  	[bflag:$0x3] =	sbarrier.arrive $0xFFFF  }
0x33: {  	_ =	shalt  }

</sc_bundles>
